<compile_context>
chip_gen: v7x
topology: tpu7x:2x2x1
jax: 0.10.2.dev20260603
libtpu: 0.0.44.dev20260713+nightly
codegen_flags: <defaults>
</compile_context>

<pallas_src>
import functools

import jax
import jax.numpy as jnp
from jax import lax
from jax.experimental import pallas as pl
from jax.experimental.pallas import tpu as pltpu
from jax.experimental.pallas import tpu_sc as plsc

N = 10000
C = 128
H = 512
NPAD = 10240
NC = 2
NS = 16
NW = NC * NS
CHUNK = 128
K = 80
EPW = K * CHUNK
EPAD = NW * EPW
ROWS_PER_TILE = NPAD // NS


def _sc_partial_agg(x_pad, src_idx, dst_idx, zeros_pad):
    mesh = plsc.VectorSubcoreMesh(core_axis_name="c", subcore_axis_name="s")

    @functools.partial(
        pl.kernel,
        out_type=jax.ShapeDtypeStruct((NC, NPAD, C), jnp.float32),
        mesh=mesh,
        scratch_types=[
            pltpu.VMEM((K, CHUNK), jnp.int32),
            pltpu.VMEM((2, CHUNK), jnp.int32),
            pltpu.VMEM((2, CHUNK, C), jnp.float32),
            pltpu.VMEM_SHARED((NPAD, C), jnp.float32),
            pltpu.SemaphoreType.DMA,
            pltpu.SemaphoreType.DMA,
            pltpu.SemaphoreType.DMA,
            pltpu.SemaphoreType.DMA,
        ],
    )
    def sc_agg(x_hbm, src_hbm, dst_hbm, zero_hbm, out_hbm,
               src_v, dst_v, rows_v, acc_sh, gsem0, gsem1, dsem0, dsem1):
        cid = lax.axis_index("c")
        sid = lax.axis_index("s")
        wid = cid * NS + sid
        gsems = (gsem0, gsem1)
        dsems = (dsem0, dsem1)

        with jax.named_scope("agg_stage"):
            pltpu.sync_copy(src_hbm.at[wid], src_v)
            row0 = sid * ROWS_PER_TILE
            pltpu.sync_copy(zero_hbm.at[pl.ds(row0, ROWS_PER_TILE)],
                            acc_sh.at[pl.ds(row0, ROWS_PER_TILE)])
            plsc.subcore_barrier()

        def gather(j, b):
            return pltpu.make_async_copy(
                x_hbm.at[src_v.at[j]], rows_v.at[b], gsems[b])

        def dcp(j, b):
            return pltpu.make_async_copy(
                dst_hbm.at[wid, j], dst_v.at[b], dsems[b])

        gather(0, 0).start()
        dcp(0, 0).start()
        gather(1, 1).start()
        dcp(1, 1).start()

        def body(j2, carry):
            for b in range(2):
                ch = j2 * 2 + b
                gather(ch, b).wait()
                dcp(ch, b).wait()
                pltpu.sync_copy(rows_v.at[b], acc_sh.at[dst_v.at[b]],
                                add=True)

                @pl.when(ch + 2 < K)
                def _():
                    gather(ch + 2, b).start()
                    dcp(ch + 2, b).start()
            return carry

        with jax.named_scope("agg_loop"):
            lax.fori_loop(0, K // 2, body, 0)
            plsc.subcore_barrier()
        with jax.named_scope("agg_publish"):
            pltpu.sync_copy(acc_sh.at[pl.ds(row0, ROWS_PER_TILE)],
                            out_hbm.at[cid, pl.ds(row0, ROWS_PER_TILE)])

    return sc_agg(x_pad, src_idx, dst_idx, zeros_pad)


def _mlp(x_pad, a0, a1, Wa, ba, Wb, bb):
    BN = 512

    def body(x_ref, a0_ref, a1_ref, wa_ref, ba_ref, wb_ref, bb_ref, o_ref):
        h = x_ref[...] + a0_ref[...] + a1_ref[...]
        z = jnp.dot(h, wa_ref[...], preferred_element_type=jnp.float32)
        z = jnp.maximum(z + ba_ref[...], 0.0)
        y = jnp.dot(z, wb_ref[...], preferred_element_type=jnp.float32)
        y = y + bb_ref[...]
        rows = pl.program_id(0) * BN + lax.broadcasted_iota(
            jnp.int32, (BN, 1), 0)
        o_ref[...] = jnp.where(rows < N, y, 0.0)

    return pl.pallas_call(
        body,
        grid=(NPAD // BN,),
        in_specs=[
            pl.BlockSpec((BN, C), lambda i: (i, 0)),
            pl.BlockSpec((BN, C), lambda i: (i, 0)),
            pl.BlockSpec((BN, C), lambda i: (i, 0)),
            pl.BlockSpec((C, H), lambda i: (0, 0)),
            pl.BlockSpec((1, H), lambda i: (0, 0)),
            pl.BlockSpec((H, C), lambda i: (0, 0)),
            pl.BlockSpec((1, C), lambda i: (0, 0)),
        ],
        out_specs=pl.BlockSpec((BN, C), lambda i: (i, 0)),
        out_shape=jax.ShapeDtypeStruct((NPAD, C), jnp.float32),
    )(x_pad, a0, a1, Wa, ba.reshape(1, H), Wb, bb.reshape(1, C))


def kernel(graph_sig, edge_index, W1, b1, W2, b2, W3, b3, W4, b4):
    x0 = graph_sig[0].astype(jnp.float32)
    x_pad = jnp.zeros((NPAD, C), jnp.float32).at[:N].set(x0)

    E = edge_index.shape[1]
    ei = edge_index.astype(jnp.int32)
    fill = jnp.full((EPAD - E,), N, jnp.int32)
    src_idx = jnp.concatenate([ei[0], fill]).reshape(NW, K, CHUNK)
    dst_idx = jnp.concatenate([ei[1], fill]).reshape(NW, K, CHUNK)
    zeros_pad = jnp.zeros((NPAD, C), jnp.float32)

    agg = _sc_partial_agg(x_pad, src_idx, dst_idx, zeros_pad)
    y1 = _mlp(x_pad, agg[0], agg[1], W1, b1, W2, b2)
    agg2 = _sc_partial_agg(y1, src_idx, dst_idx, zeros_pad)
    y2 = _mlp(y1, agg2[0], agg2[1], W3, b3, W4, b4)
    return y2[:N][None]

# --- scband reference (transcript-rebuilt; emitter-appended) ---
"""Pipeline reference for scband-gnnconv-layer-85933705658978 (READ-ONLY COPY).

The authoritative reference and input builder live on the scoring server;
editing this copy changes nothing except your own understanding.
"""

import jax, jax.numpy as jnp
import numpy as np

N = 10000
E = 320000
C_IN = 128
C_OUT = 128
H = 4 * C_IN  # GIN hidden = 4*in_channels


def setup_inputs(seed: int = 0) -> dict:
    key = jax.random.key(seed)
    ks = jax.random.split(key, 12)
    graph_sig = jax.random.normal(ks[0], (1, N, C_IN), dtype=jnp.float32)
    edge_index = jax.random.randint(ks[1], (2, E), 0, N, dtype=jnp.int64)
    # GIN layer 1 MLP: Linear(128 -> 512), ReLU, Linear(512 -> 128)
    W1 = jax.random.normal(ks[2], (C_IN, H), dtype=jnp.float32) * (1.0 / np.sqrt(C_IN))
    b1 = jnp.zeros((H,), dtype=jnp.float32)
    W2 = jax.random.normal(ks[3], (H, C_OUT), dtype=jnp.float32) * (1.0 / np.sqrt(H))
    b2 = jnp.zeros((C_OUT,), dtype=jnp.float32)
    # GIN layer 2 MLP: Linear(128 -> 512), ReLU, Linear(512 -> 128)
    W3 = jax.random.normal(ks[4], (C_OUT, H), dtype=jnp.float32) * (1.0 / np.sqrt(C_OUT))
    b3 = jnp.zeros((H,), dtype=jnp.float32)
    W4 = jax.random.normal(ks[5], (H, C_OUT), dtype=jnp.float32) * (1.0 / np.sqrt(H))
    b4 = jnp.zeros((C_OUT,), dtype=jnp.float32)
    return {"graph_sig": graph_sig, "edge_index": edge_index,
            "W1": W1, "b1": b1, "W2": W2, "b2": b2,
            "W3": W3, "b3": b3, "W4": W4, "b4": b4}


def _gin_layer(x, src, dst, Wa, ba, Wb, bb):
    # x: (B, N, C). GINConv with eps=0 (PyG default, train_eps=False):
    # x'_i = MLP((1 + eps) * x_i + sum_{j in N(i)} x_j), messages src -> dst
    B, n, c = x.shape
    msgs = x[:, src, :]                      # gather: (B, E, C)
    agg = jnp.zeros((B, n, c), dtype=x.dtype).at[:, dst, :].add(msgs)  # scatter-add
    h = x + agg                              # (1 + eps) * x + agg, eps = 0
    h = jnp.maximum(h @ Wa + ba, 0.0)        # Linear + ReLU
    return h @ Wb + bb                       # Linear


def reference(graph_sig, edge_index, W1, b1, W2, b2, W3, b3, W4, b4):
    src = edge_index[0]
    dst = edge_index[1]
    x = _gin_layer(graph_sig, src, dst, W1, b1, W2, b2)  # layer 1 (in -> out)
    x = _gin_layer(x, src, dst, W3, b3, W4, b4)          # layer 2 (out -> out)
    return x

if __name__ == "__main__":
    import jax
    _d = setup_inputs()
    print(jax.jit(kernel)(*tuple(_d.values())))

</pallas_src>

<mosaic_0001>
#map = affine_map<(d0, d1) -> (0, 0)>
#map1 = affine_map<(d0, d1) -> (0, 0, 0)>
module attributes {stable_mosaic.version = 14 : i64} {
  func.func @sc_agg(%arg0: i32, %arg1: i32, %arg2: memref<10240x128xf32, #tpu.memory_space<hbm>>, %arg3: memref<32x80x128xi32, #tpu.memory_space<hbm>>, %arg4: memref<32x80x128xi32, #tpu.memory_space<hbm>>, %arg5: memref<10240x128xf32, #tpu.memory_space<hbm>>, %arg6: memref<2x10240x128xf32, #tpu.memory_space<hbm>>, %arg7: memref<80x128xi32, #tpu.memory_space<vmem>>, %arg8: memref<2x128xi32, #tpu.memory_space<vmem>>, %arg9: memref<2x128x128xf32, #tpu.memory_space<vmem>>, %arg10: memref<10240x128xf32, #tpu.memory_space<vmem_shared>>, %arg11: memref<!tpu.dma_semaphore, #tpu.memory_space<semaphore_mem>>, %arg12: memref<!tpu.dma_semaphore, #tpu.memory_space<semaphore_mem>>, %arg13: memref<!tpu.dma_semaphore, #tpu.memory_space<semaphore_mem>>, %arg14: memref<!tpu.dma_semaphore, #tpu.memory_space<semaphore_mem>>) attributes {dimension_semantics = [#tpu.dimension_semantics<core_parallel>, #tpu.dimension_semantics<subcore_parallel>], iteration_bounds = array<i64: 2, 16>, scalar_prefetch = 0 : i64, scratch_operands = 8 : i64, tpu.core_type = #tpu.core_type<sc_vector_subcore>, window_params = [{transform_indices = #map}, {transform_indices = #map1}, {transform_indices = #map1}, {transform_indices = #map}, {transform_indices = #map1}]} {
    %mul3A = arith.constant 16 : i32
    %mul3A_0 = arith.muli %arg0, %mul3A : i32
    %add3A = arith.addi %mul3A_0, %arg1 : i32
    "tpu.trace_start"() <{level = 10 : i32, message = "agg_stage"}> : () -> ()
    "tpu.region"() ({
      %run_scoped3A = tpu.sem_alloc : memref<!tpu.dma_semaphore, #tpu.memory_space<semaphore_mem>>
      %dma_start3A_60 = arith.constant 0 : i32
      %dma_start3A_61 = arith.constant 0 : i32
      %dma_start3A_62 = tpu.memref_slice %arg3[%add3A, %dma_start3A_60, %dma_start3A_61] : memref<32x80x128xi32, #tpu.memory_space<hbm>> -> memref<1x80x128xi32, #tpu.memory_space<hbm>>
      %dma_start3A_63 = tpu.memref_squeeze %dma_start3A_62 : memref<1x80x128xi32, #tpu.memory_space<hbm>> -> memref<80x128xi32, #tpu.memory_space<hbm>>
      %dma_start3A_64 = arith.constant 0 : i32
      %dma_start3A_65 = arith.constant 0 : i32
      %dma_start3A_66 = tpu.memref_slice %arg3[%add3A, %dma_start3A_64, %dma_start3A_65] : memref<32x80x128xi32, #tpu.memory_space<hbm>> -> memref<1x80x128xi32, #tpu.memory_space<hbm>>
      %dma_start3A_67 = tpu.memref_squeeze %dma_start3A_66 : memref<1x80x128xi32, #tpu.memory_space<hbm>> -> memref<80x128xi32, #tpu.memory_space<hbm>>
      tpu.enqueue_dma source(%dma_start3A_67 : memref<80x128xi32, #tpu.memory_space<hbm>>) target(%arg7 : memref<80x128xi32, #tpu.memory_space<vmem>>) target_semaphore(%run_scoped3A : memref<!tpu.dma_semaphore, #tpu.memory_space<semaphore_mem>>)
      %dma_wait3A = arith.constant 0 : i32
      %dma_wait3A_68 = arith.constant 0 : i32
      %dma_wait3A_69 = tpu.memref_slice %arg3[%add3A, %dma_wait3A, %dma_wait3A_68] : memref<32x80x128xi32, #tpu.memory_space<hbm>> -> memref<1x80x128xi32, #tpu.memory_space<hbm>>
      %dma_wait3A_70 = tpu.memref_squeeze %dma_wait3A_69 : memref<1x80x128xi32, #tpu.memory_space<hbm>> -> memref<80x128xi32, #tpu.memory_space<hbm>>
      %dma_wait3A_71 = arith.constant 0 : i32
      %dma_wait3A_72 = arith.constant 0 : i32
      %dma_wait3A_73 = tpu.memref_slice %arg3[%add3A, %dma_wait3A_71, %dma_wait3A_72] : memref<32x80x128xi32, #tpu.memory_space<hbm>> -> memref<1x80x128xi32, #tpu.memory_space<hbm>>
      %dma_wait3A_74 = tpu.memref_squeeze %dma_wait3A_73 : memref<1x80x128xi32, #tpu.memory_space<hbm>> -> memref<80x128xi32, #tpu.memory_space<hbm>>
      tpu.wait_dma2 semaphore(%run_scoped3A : memref<!tpu.dma_semaphore, #tpu.memory_space<semaphore_mem>>) src(%dma_wait3A_74 : memref<80x128xi32, #tpu.memory_space<hbm>>) dst(%arg7 : memref<80x128xi32, #tpu.memory_space<vmem>>)
      tpu.yield
    }) : () -> ()
    %mul3A_1 = arith.constant 640 : i32
    %mul3A_2 = arith.muli %arg1, %mul3A_1 : i32
    "tpu.region"() ({
      %run_scoped3A = tpu.sem_alloc : memref<!tpu.dma_semaphore, #tpu.memory_space<semaphore_mem>>
      %dma_start3A_60 = arith.constant 0 : i32
      %dma_start3A_61 = tpu.memref_slice %arg10[%mul3A_2, %dma_start3A_60] : memref<10240x128xf32, #tpu.memory_space<vmem_shared>> -> memref<640x128xf32, #tpu.memory_space<vmem_shared>>
      %dma_start3A_62 = arith.constant 0 : i32
      %dma_start3A_63 = tpu.memref_slice %arg5[%mul3A_2, %dma_start3A_62] : memref<10240x128xf32, #tpu.memory_space<hbm>> -> memref<640x128xf32, #tpu.memory_space<hbm>>
      tpu.enqueue_dma source(%dma_start3A_63 : memref<640x128xf32, #tpu.memory_space<hbm>>) target(%dma_start3A_61 : memref<640x128xf32, #tpu.memory_space<vmem_shared>>) target_semaphore(%run_scoped3A : memref<!tpu.dma_semaphore, #tpu.memory_space<semaphore_mem>>)
      %dma_wait3A = arith.constant 0 : i32
      %dma_wait3A_64 = tpu.memref_slice %arg10[%mul3A_2, %dma_wait3A] : memref<10240x128xf32, #tpu.memory_space<vmem_shared>> -> memref<640x128xf32, #tpu.memory_space<vmem_shared>>
      %dma_wait3A_65 = arith.constant 0 : i32
      %dma_wait3A_66 = tpu.memref_slice %arg5[%mul3A_2, %dma_wait3A_65] : memref<10240x128xf32, #tpu.memory_space<hbm>> -> memref<640x128xf32, #tpu.memory_space<hbm>>
      tpu.wait_dma2 semaphore(%run_scoped3A : memref<!tpu.dma_semaphore, #tpu.memory_space<semaphore_mem>>) src(%dma_wait3A_66 : memref<640x128xf32, #tpu.memory_space<hbm>>) dst(%dma_wait3A_64 : memref<640x128xf32, #tpu.memory_space<vmem_shared>>)
      tpu.yield
    }) : () -> ()
    %barrier3A = arith.constant 0 : index
    tpu.barrier barrier_id(%barrier3A)
    %dma_start3A = arith.constant 0 : i32
    %dma_start3A_3 = arith.constant 0 : i32
    "tpu.trace_stop"() : () -> ()
    %dma_start3A_4 = arith.constant 0 : i32
    %dma_start3A_5 = arith.constant 0 : i32
    %dma_start3A_6 = tpu.memref_slice %arg9[%dma_start3A_3, %dma_start3A_4, %dma_start3A_5] : memref<2x128x128xf32, #tpu.memory_space<vmem>> -> memref<1x128x128xf32, #tpu.memory_space<vmem>>
    %dma_start3A_7 = tpu.memref_squeeze %dma_start3A_6 : memref<1x128x128xf32, #tpu.memory_space<vmem>> -> memref<128x128xf32, #tpu.memory_space<vmem>>
    %dma_start3A_8 = arith.constant 0 : i32
    %dma_start3A_9 = tpu.memref_slice %arg7[%dma_start3A, %dma_start3A_8] : memref<80x128xi32, #tpu.memory_space<vmem>> -> memref<1x128xi32, #tpu.memory_space<vmem>>
    %dma_start3A_10 = tpu.memref_squeeze %dma_start3A_9 : memref<1x128xi32, #tpu.memory_space<vmem>> -> memref<128xi32, #tpu.memory_space<vmem>>
    %dma_start3A_11 = arith.constant 0 : i32
    %dma_start3A_12 = arith.constant 0 : i32
    %dma_start3A_13 = tpu.memref_slice %arg2[%dma_start3A_11, %dma_start3A_12] : memref<10240x128xf32, #tpu.memory_space<hbm>> -> memref<10240x128xf32, #tpu.memory_space<hbm>>
    tpu.enqueue_indirect_dma source(%dma_start3A_13 : memref<10240x128xf32, #tpu.memory_space<hbm>>) target(%dma_start3A_7 : memref<128x128xf32, #tpu.memory_space<vmem>>) offsets(%dma_start3A_10 : memref<128xi32, #tpu.memory_space<vmem>>) semaphore(%arg11 : memref<!tpu.dma_semaphore, #tpu.memory_space<semaphore_mem>>)
    %dma_start3A_14 = arith.constant 0 : i32
    %dma_start3A_15 = arith.constant 0 : i32
    %dma_start3A_16 = arith.constant 0 : i32
    %dma_start3A_17 = tpu.memref_slice %arg8[%dma_start3A_15, %dma_start3A_16] : memref<2x128xi32, #tpu.memory_space<vmem>> -> memref<1x128xi32, #tpu.memory_space<vmem>>
    %dma_start3A_18 = tpu.memref_squeeze %dma_start3A_17 : memref<1x128xi32, #tpu.memory_space<vmem>> -> memref<128xi32, #tpu.memory_space<vmem>>
    %dma_start3A_19 = arith.constant 0 : i32
    %dma_start3A_20 = tpu.memref_slice %arg4[%add3A, %dma_start3A_14, %dma_start3A_19] : memref<32x80x128xi32, #tpu.memory_space<hbm>> -> memref<1x1x128xi32, #tpu.memory_space<hbm>>
    %dma_start3A_21 = tpu.memref_squeeze %dma_start3A_20 : memref<1x1x128xi32, #tpu.memory_space<hbm>> -> memref<128xi32, #tpu.memory_space<hbm>>
    %dma_start3A_22 = arith.constant 0 : i32
    %dma_start3A_23 = tpu.memref_slice %arg8[%dma_start3A_15, %dma_start3A_22] : memref<2x128xi32, #tpu.memory_space<vmem>> -> memref<1x128xi32, #tpu.memory_space<vmem>>
    %dma_start3A_24 = tpu.memref_squeeze %dma_start3A_23 : memref<1x128xi32, #tpu.memory_space<vmem>> -> memref<128xi32, #tpu.memory_space<vmem>>
    %dma_start3A_25 = arith.constant 0 : i32
    %dma_start3A_26 = tpu.memref_slice %arg4[%add3A, %dma_start3A_14, %dma_start3A_25] : memref<32x80x128xi32, #tpu.memory_space<hbm>> -> memref<1x1x128xi32, #tpu.memory_space<hbm>>
    %dma_start3A_27 = tpu.memref_squeeze %dma_start3A_26 : memref<1x1x128xi32, #tpu.memory_space<hbm>> -> memref<128xi32, #tpu.memory_space<hbm>>
    tpu.enqueue_dma source(%dma_start3A_27 : memref<128xi32, #tpu.memory_space<hbm>>) target(%dma_start3A_24 : memref<128xi32, #tpu.memory_space<vmem>>) target_semaphore(%arg13 : memref<!tpu.dma_semaphore, #tpu.memory_space<semaphore_mem>>)
    %dma_start3A_28 = arith.constant 1 : i32
    %dma_start3A_29 = arith.constant 1 : i32
    %dma_start3A_30 = arith.constant 0 : i32
    %dma_start3A_31 = arith.constant 0 : i32
    %dma_start3A_32 = tpu.memref_slice %arg9[%dma_start3A_29, %dma_start3A_30, %dma_start3A_31] : memref<2x128x128xf32, #tpu.memory_space<vmem>> -> memref<1x128x128xf32, #tpu.memory_space<vmem>>
    %dma_start3A_33 = tpu.memref_squeeze %dma_start3A_32 : memref<1x128x128xf32, #tpu.memory_space<vmem>> -> memref<128x128xf32, #tpu.memory_space<vmem>>
    %dma_start3A_34 = arith.constant 0 : i32
    %dma_start3A_35 = tpu.memref_slice %arg7[%dma_start3A_28, %dma_start3A_34] : memref<80x128xi32, #tpu.memory_space<vmem>> -> memref<1x128xi32, #tpu.memory_space<vmem>>
    %dma_start3A_36 = tpu.memref_squeeze %dma_start3A_35 : memref<1x128xi32, #tpu.memory_space<vmem>> -> memref<128xi32, #tpu.memory_space<vmem>>
    %dma_start3A_37 = arith.constant 0 : i32
    %dma_start3A_38 = arith.constant 0 : i32
    %dma_start3A_39 = tpu.memref_slice %arg2[%dma_start3A_37, %dma_start3A_38] : memref<10240x128xf32, #tpu.memory_space<hbm>> -> memref<10240x128xf32, #tpu.memory_space<hbm>>
    tpu.enqueue_indirect_dma source(%dma_start3A_39 : memref<10240x128xf32, #tpu.memory_space<hbm>>) target(%dma_start3A_33 : memref<128x128xf32, #tpu.memory_space<vmem>>) offsets(%dma_start3A_36 : memref<128xi32, #tpu.memory_space<vmem>>) semaphore(%arg12 : memref<!tpu.dma_semaphore, #tpu.memory_space<semaphore_mem>>)
    %dma_start3A_40 = arith.constant 1 : i32
    %dma_start3A_41 = arith.constant 1 : i32
    %dma_start3A_42 = arith.constant 0 : i32
    %dma_start3A_43 = tpu.memref_slice %arg8[%dma_start3A_41, %dma_start3A_42] : memref<2x128xi32, #tpu.memory_space<vmem>> -> memref<1x128xi32, #tpu.memory_space<vmem>>
    %dma_start3A_44 = tpu.memref_squeeze %dma_start3A_43 : memref<1x128xi32, #tpu.memory_space<vmem>> -> memref<128xi32, #tpu.memory_space<vmem>>
    %dma_start3A_45 = arith.constant 0 : i32
    %dma_start3A_46 = tpu.memref_slice %arg4[%add3A, %dma_start3A_40, %dma_start3A_45] : memref<32x80x128xi32, #tpu.memory_space<hbm>> -> memref<1x1x128xi32, #tpu.memory_space<hbm>>
    %dma_start3A_47 = tpu.memref_squeeze %dma_start3A_46 : memref<1x1x128xi32, #tpu.memory_space<hbm>> -> memref<128xi32, #tpu.memory_space<hbm>>
    %dma_start3A_48 = arith.constant 0 : i32
    %dma_start3A_49 = tpu.memref_slice %arg8[%dma_start3A_41, %dma_start3A_48] : memref<2x128xi32, #tpu.memory_space<vmem>> -> memref<1x128xi32, #tpu.memory_space<vmem>>
    %dma_start3A_50 = tpu.memref_squeeze %dma_start3A_49 : memref<1x128xi32, #tpu.memory_space<vmem>> -> memref<128xi32, #tpu.memory_space<vmem>>
    %dma_start3A_51 = arith.constant 0 : i32
    %dma_start3A_52 = tpu.memref_slice %arg4[%add3A, %dma_start3A_40, %dma_start3A_51] : memref<32x80x128xi32, #tpu.memory_space<hbm>> -> memref<1x1x128xi32, #tpu.memory_space<hbm>>
    %dma_start3A_53 = tpu.memref_squeeze %dma_start3A_52 : memref<1x1x128xi32, #tpu.memory_space<hbm>> -> memref<128xi32, #tpu.memory_space<hbm>>
    tpu.enqueue_dma source(%dma_start3A_53 : memref<128xi32, #tpu.memory_space<hbm>>) target(%dma_start3A_50 : memref<128xi32, #tpu.memory_space<vmem>>) target_semaphore(%arg14 : memref<!tpu.dma_semaphore, #tpu.memory_space<semaphore_mem>>)
    "tpu.trace_start"() <{level = 10 : i32, message = "agg_loop"}> : () -> ()
    %scan3A = arith.constant 0 : i32
    %scan3A_54 = arith.constant 0 : i32
    %scan3A_55 = arith.constant 40 : i32
    %scan3A_56 = arith.addi %scan3A_54, %scan3A_55 : i32
    %scan3A_57 = arith.constant 1 : i32
    scf.for %scan3A_60 = %scan3A_54 to %scan3A_56 step %scan3A_57  : i32 {
      %mul3A_61 = arith.constant 2 : i32
      %mul3A_62 = arith.muli %scan3A_60, %mul3A_61 : i32
      %add3A_63 = arith.constant 0 : i32
      %add3A_64 = arith.addi %mul3A_62, %add3A_63 : i32
      %dma_wait3A = arith.constant 0 : i32
      %dma_wait3A_65 = arith.constant 0 : i32
      %dma_wait3A_66 = arith.constant 0 : i32
      %dma_wait3A_67 = tpu.memref_slice %arg9[%dma_wait3A, %dma_wait3A_65, %dma_wait3A_66] : memref<2x128x128xf32, #tpu.memory_space<vmem>> -> memref<1x128x128xf32, #tpu.memory_space<vmem>>
      %dma_wait3A_68 = tpu.memref_squeeze %dma_wait3A_67 : memref<1x128x128xf32, #tpu.memory_space<vmem>> -> memref<128x128xf32, #tpu.memory_space<vmem>>
      %dma_wait3A_69 = arith.constant 0 : i32
      %dma_wait3A_70 = tpu.memref_slice %arg7[%add3A_64, %dma_wait3A_69] : memref<80x128xi32, #tpu.memory_space<vmem>> -> memref<1x128xi32, #tpu.memory_space<vmem>>
      %dma_wait3A_71 = tpu.memref_squeeze %dma_wait3A_70 : memref<1x128xi32, #tpu.memory_space<vmem>> -> memref<128xi32, #tpu.memory_space<vmem>>
      %dma_wait3A_72 = arith.constant 0 : i32
      %dma_wait3A_73 = arith.constant 0 : i32
      %dma_wait3A_74 = tpu.memref_slice %arg2[%dma_wait3A_72, %dma_wait3A_73] : memref<10240x128xf32, #tpu.memory_space<hbm>> -> memref<10240x128xf32, #tpu.memory_space<hbm>>
      tpu.wait_indirect_dma semaphore(%arg11 : memref<!tpu.dma_semaphore, #tpu.memory_space<semaphore_mem>>) src(%dma_wait3A_74 : memref<10240x128xf32, #tpu.memory_space<hbm>>) dst(%dma_wait3A_68 : memref<128x128xf32, #tpu.memory_space<vmem>>)
      %dma_wait3A_75 = arith.constant 0 : i32
      %dma_wait3A_76 = arith.constant 0 : i32
      %dma_wait3A_77 = tpu.memref_slice %arg8[%dma_wait3A_75, %dma_wait3A_76] : memref<2x128xi32, #tpu.memory_space<vmem>> -> memref<1x128xi32, #tpu.memory_space<vmem>>
      %dma_wait3A_78 = tpu.memref_squeeze %dma_wait3A_77 : memref<1x128xi32, #tpu.memory_space<vmem>> -> memref<128xi32, #tpu.memory_space<vmem>>
      %dma_wait3A_79 = arith.constant 0 : i32
      %dma_wait3A_80 = tpu.memref_slice %arg4[%add3A, %add3A_64, %dma_wait3A_79] : memref<32x80x128xi32, #tpu.memory_space<hbm>> -> memref<1x1x128xi32, #tpu.memory_space<hbm>>
      %dma_wait3A_81 = tpu.memref_squeeze %dma_wait3A_80 : memref<1x1x128xi32, #tpu.memory_space<hbm>> -> memref<128xi32, #tpu.memory_space<hbm>>
      %dma_wait3A_82 = arith.constant 0 : i32
      %dma_wait3A_83 = tpu.memref_slice %arg8[%dma_wait3A_75, %dma_wait3A_82] : memref<2x128xi32, #tpu.memory_space<vmem>> -> memref<1x128xi32, #tpu.memory_space<vmem>>
      %dma_wait3A_84 = tpu.memref_squeeze %dma_wait3A_83 : memref<1x128xi32, #tpu.memory_space<vmem>> -> memref<128xi32, #tpu.memory_space<vmem>>
      %dma_wait3A_85 = arith.constant 0 : i32
      %dma_wait3A_86 = tpu.memref_slice %arg4[%add3A, %add3A_64, %dma_wait3A_85] : memref<32x80x128xi32, #tpu.memory_space<hbm>> -> memref<1x1x128xi32, #tpu.memory_space<hbm>>
      %dma_wait3A_87 = tpu.memref_squeeze %dma_wait3A_86 : memref<1x1x128xi32, #tpu.memory_space<hbm>> -> memref<128xi32, #tpu.memory_space<hbm>>
      tpu.wait_dma2 semaphore(%arg13 : memref<!tpu.dma_semaphore, #tpu.memory_space<semaphore_mem>>) src(%dma_wait3A_87 : memref<128xi32, #tpu.memory_space<hbm>>) dst(%dma_wait3A_84 : memref<128xi32, #tpu.memory_space<vmem>>)
      %run_scoped3A = arith.constant 0 : i32
      %run_scoped3A_88 = arith.constant 0 : i32
      "tpu.region"() ({
        %run_scoped3A_130 = tpu.sem_alloc : memref<!tpu.dma_semaphore, #tpu.memory_space<semaphore_mem>>
        %dma_start3A_131 = arith.constant 0 : i32
        %dma_start3A_132 = arith.constant 0 : i32
        %dma_start3A_133 = tpu.memref_slice %arg9[%run_scoped3A, %dma_start3A_131, %dma_start3A_132] : memref<2x128x128xf32, #tpu.memory_space<vmem>> -> memref<1x128x128xf32, #tpu.memory_space<vmem>>
        %dma_start3A_134 = tpu.memref_squeeze %dma_start3A_133 : memref<1x128x128xf32, #tpu.memory_space<vmem>> -> memref<128x128xf32, #tpu.memory_space<vmem>>
        %dma_start3A_135 = arith.constant 0 : i32
        %dma_start3A_136 = tpu.memref_slice %arg8[%run_scoped3A_88, %dma_start3A_135] : memref<2x128xi32, #tpu.memory_space<vmem>> -> memref<1x128xi32, #tpu.memory_space<vmem>>
        %dma_start3A_137 = tpu.memref_squeeze %dma_start3A_136 : memref<1x128xi32, #tpu.memory_space<vmem>> -> memref<128xi32, #tpu.memory_space<vmem>>
        %dma_start3A_138 = arith.constant 0 : i32
        %dma_start3A_139 = arith.constant 0 : i32
        %dma_start3A_140 = tpu.memref_slice %arg10[%dma_start3A_138, %dma_start3A_139] : memref<10240x128xf32, #tpu.memory_space<vmem_shared>> -> memref<10240x128xf32, #tpu.memory_space<vmem_shared>>
        tpu.enqueue_indirect_dma source(%dma_start3A_134 : memref<128x128xf32, #tpu.memory_space<vmem>>) target(%dma_start3A_140 : memref<10240x128xf32, #tpu.memory_space<vmem_shared>>) offsets(%dma_start3A_137 : memref<128xi32, #tpu.memory_space<vmem>>) semaphore(%run_scoped3A_130 : memref<!tpu.dma_semaphore, #tpu.memory_space<semaphore_mem>>) {add = true}
        %dma_wait3A_141 = arith.constant 0 : i32
        %dma_wait3A_142 = arith.constant 0 : i32
        %dma_wait3A_143 = tpu.memref_slice %arg9[%run_scoped3A, %dma_wait3A_141, %dma_wait3A_142] : memref<2x128x128xf32, #tpu.memory_space<vmem>> -> memref<1x128x128xf32, #tpu.memory_space<vmem>>
        %dma_wait3A_144 = tpu.memref_squeeze %dma_wait3A_143 : memref<1x128x128xf32, #tpu.memory_space<vmem>> -> memref<128x128xf32, #tpu.memory_space<vmem>>
        %dma_wait3A_145 = arith.constant 0 : i32
        %dma_wait3A_146 = tpu.memref_slice %arg8[%run_scoped3A_88, %dma_wait3A_145] : memref<2x128xi32, #tpu.memory_space<vmem>> -> memref<1x128xi32, #tpu.memory_space<vmem>>
        %dma_wait3A_147 = tpu.memref_squeeze %dma_wait3A_146 : memref<1x128xi32, #tpu.memory_space<vmem>> -> memref<128xi32, #tpu.memory_space<vmem>>
        %dma_wait3A_148 = arith.constant 0 : i32
        %dma_wait3A_149 = arith.constant 0 : i32
        %dma_wait3A_150 = tpu.memref_slice %arg10[%dma_wait3A_148, %dma_wait3A_149] : memref<10240x128xf32, #tpu.memory_space<vmem_shared>> -> memref<10240x128xf32, #tpu.memory_space<vmem_shared>>
        tpu.wait_indirect_dma semaphore(%run_scoped3A_130 : memref<!tpu.dma_semaphore, #tpu.memory_space<semaphore_mem>>) src(%dma_wait3A_144 : memref<128x128xf32, #tpu.memory_space<vmem>>) dst(%dma_wait3A_150 : memref<10240x128xf32, #tpu.memory_space<vmem_shared>>)
        tpu.yield
      }) : () -> ()
      %add3A_89 = arith.constant 2 : i32
      %add3A_90 = arith.addi %add3A_64, %add3A_89 : i32
      %lt3A = arith.constant 80 : i32
      %lt3A_91 = arith.cmpi slt, %add3A_90, %lt3A : i32
      %convert_element_type3A = arith.extui %lt3A_91 : i1 to i32
      %cond3A = arith.constant 0 : i32
      %cond3A_92 = arith.cmpi ne, %convert_element_type3A, %cond3A : i32
      scf.if %cond3A_92 {
        %add3A_130 = arith.constant 2 : i32
        %add3A_131 = arith.addi %add3A_64, %add3A_130 : i32
        %dma_start3A_132 = arith.constant 0 : i32
        %dma_start3A_133 = arith.constant 0 : i32
        %dma_start3A_134 = arith.constant 0 : i32
        %dma_start3A_135 = tpu.memref_slice %arg9[%dma_start3A_132, %dma_start3A_133, %dma_start3A_134] : memref<2x128x128xf32, #tpu.memory_space<vmem>> -> memref<1x128x128xf32, #tpu.memory_space<vmem>>
        %dma_start3A_136 = tpu.memref_squeeze %dma_start3A_135 : memref<1x128x128xf32, #tpu.memory_space<vmem>> -> memref<128x128xf32, #tpu.memory_space<vmem>>
        %dma_start3A_137 = arith.constant 0 : i32
        %dma_start3A_138 = tpu.memref_slice %arg7[%add3A_131, %dma_start3A_137] : memref<80x128xi32, #tpu.memory_space<vmem>> -> memref<1x128xi32, #tpu.memory_space<vmem>>
        %dma_start3A_139 = tpu.memref_squeeze %dma_start3A_138 : memref<1x128xi32, #tpu.memory_space<vmem>> -> memref<128xi32, #tpu.memory_space<vmem>>
        %dma_start3A_140 = arith.constant 0 : i32
        %dma_start3A_141 = arith.constant 0 : i32
        %dma_start3A_142 = tpu.memref_slice %arg2[%dma_start3A_140, %dma_start3A_141] : memref<10240x128xf32, #tpu.memory_space<hbm>> -> memref<10240x128xf32, #tpu.memory_space<hbm>>
        tpu.enqueue_indirect_dma source(%dma_start3A_142 : memref<10240x128xf32, #tpu.memory_space<hbm>>) target(%dma_start3A_136 : memref<128x128xf32, #tpu.memory_space<vmem>>) offsets(%dma_start3A_139 : memref<128xi32, #tpu.memory_space<vmem>>) semaphore(%arg11 : memref<!tpu.dma_semaphore, #tpu.memory_space<semaphore_mem>>)
        %add3A_143 = arith.constant 2 : i32
        %add3A_144 = arith.addi %add3A_64, %add3A_143 : i32
        %dma_start3A_145 = arith.constant 0 : i32
        %dma_start3A_146 = arith.constant 0 : i32
        %dma_start3A_147 = tpu.memref_slice %arg8[%dma_start3A_145, %dma_start3A_146] : memref<2x128xi32, #tpu.memory_space<vmem>> -> memref<1x128xi32, #tpu.memory_space<vmem>>
        %dma_start3A_148 = tpu.memref_squeeze %dma_start3A_147 : memref<1x128xi32, #tpu.memory_space<vmem>> -> memref<128xi32, #tpu.memory_space<vmem>>
        %dma_start3A_149 = arith.constant 0 : i32
        %dma_start3A_150 = tpu.memref_slice %arg4[%add3A, %add3A_144, %dma_start3A_149] : memref<32x80x128xi32, #tpu.memory_space<hbm>> -> memref<1x1x128xi32, #tpu.memory_space<hbm>>
        %dma_start3A_151 = tpu.memref_squeeze %dma_start3A_150 : memref<1x1x128xi32, #tpu.memory_space<hbm>> -> memref<128xi32, #tpu.memory_space<hbm>>
        %dma_start3A_152 = arith.constant 0 : i32
        %dma_start3A_153 = tpu.memref_slice %arg8[%dma_start3A_145, %dma_start3A_152] : memref<2x128xi32, #tpu.memory_space<vmem>> -> memref<1x128xi32, #tpu.memory_space<vmem>>
        %dma_start3A_154 = tpu.memref_squeeze %dma_start3A_153 : memref<1x128xi32, #tpu.memory_space<vmem>> -> memref<128xi32, #tpu.memory_space<vmem>>
        %dma_start3A_155 = arith.constant 0 : i32
        %dma_start3A_156 = tpu.memref_slice %arg4[%add3A, %add3A_144, %dma_start3A_155] : memref<32x80x128xi32, #tpu.memory_space<hbm>> -> memref<1x1x128xi32, #tpu.memory_space<hbm>>
        %dma_start3A_157 = tpu.memref_squeeze %dma_start3A_156 : memref<1x1x128xi32, #tpu.memory_space<hbm>> -> memref<128xi32, #tpu.memory_space<hbm>>
        tpu.enqueue_dma source(%dma_start3A_157 : memref<128xi32, #tpu.memory_space<hbm>>) target(%dma_start3A_154 : memref<128xi32, #tpu.memory_space<vmem>>) target_semaphore(%arg13 : memref<!tpu.dma_semaphore, #tpu.memory_space<semaphore_mem>>)
      } else {
      }
      %mul3A_93 = arith.constant 2 : i32
      %mul3A_94 = arith.muli %scan3A_60, %mul3A_93 : i32
      %add3A_95 = arith.constant 1 : i32
      %add3A_96 = arith.addi %mul3A_94, %add3A_95 : i32
      %dma_wait3A_97 = arith.constant 1 : i32
      %dma_wait3A_98 = arith.constant 0 : i32
      %dma_wait3A_99 = arith.constant 0 : i32
      %dma_wait3A_100 = tpu.memref_slice %arg9[%dma_wait3A_97, %dma_wait3A_98, %dma_wait3A_99] : memref<2x128x128xf32, #tpu.memory_space<vmem>> -> memref<1x128x128xf32, #tpu.memory_space<vmem>>
      %dma_wait3A_101 = tpu.memref_squeeze %dma_wait3A_100 : memref<1x128x128xf32, #tpu.memory_space<vmem>> -> memref<128x128xf32, #tpu.memory_space<vmem>>
      %dma_wait3A_102 = arith.constant 0 : i32
      %dma_wait3A_103 = tpu.memref_slice %arg7[%add3A_96, %dma_wait3A_102] : memref<80x128xi32, #tpu.memory_space<vmem>> -> memref<1x128xi32, #tpu.memory_space<vmem>>
      %dma_wait3A_104 = tpu.memref_squeeze %dma_wait3A_103 : memref<1x128xi32, #tpu.memory_space<vmem>> -> memref<128xi32, #tpu.memory_space<vmem>>
      %dma_wait3A_105 = arith.constant 0 : i32
      %dma_wait3A_106 = arith.constant 0 : i32
      %dma_wait3A_107 = tpu.memref_slice %arg2[%dma_wait3A_105, %dma_wait3A_106] : memref<10240x128xf32, #tpu.memory_space<hbm>> -> memref<10240x128xf32, #tpu.memory_space<hbm>>
      tpu.wait_indirect_dma semaphore(%arg12 : memref<!tpu.dma_semaphore, #tpu.memory_space<semaphore_mem>>) src(%dma_wait3A_107 : memref<10240x128xf32, #tpu.memory_space<hbm>>) dst(%dma_wait3A_101 : memref<128x128xf32, #tpu.memory_space<vmem>>)
      %dma_wait3A_108 = arith.constant 1 : i32
      %dma_wait3A_109 = arith.constant 0 : i32
      %dma_wait3A_110 = tpu.memref_slice %arg8[%dma_wait3A_108, %dma_wait3A_109] : memref<2x128xi32, #tpu.memory_space<vmem>> -> memref<1x128xi32, #tpu.memory_space<vmem>>
      %dma_wait3A_111 = tpu.memref_squeeze %dma_wait3A_110 : memref<1x128xi32, #tpu.memory_space<vmem>> -> memref<128xi32, #tpu.memory_space<vmem>>
      %dma_wait3A_112 = arith.constant 0 : i32
      %dma_wait3A_113 = tpu.memref_slice %arg4[%add3A, %add3A_96, %dma_wait3A_112] : memref<32x80x128xi32, #tpu.memory_space<hbm>> -> memref<1x1x128xi32, #tpu.memory_space<hbm>>
      %dma_wait3A_114 = tpu.memref_squeeze %dma_wait3A_113 : memref<1x1x128xi32, #tpu.memory_space<hbm>> -> memref<128xi32, #tpu.memory_space<hbm>>
      %dma_wait3A_115 = arith.constant 0 : i32
      %dma_wait3A_116 = tpu.memref_slice %arg8[%dma_wait3A_108, %dma_wait3A_115] : memref<2x128xi32, #tpu.memory_space<vmem>> -> memref<1x128xi32, #tpu.memory_space<vmem>>
      %dma_wait3A_117 = tpu.memref_squeeze %dma_wait3A_116 : memref<1x128xi32, #tpu.memory_space<vmem>> -> memref<128xi32, #tpu.memory_space<vmem>>
      %dma_wait3A_118 = arith.constant 0 : i32
      %dma_wait3A_119 = tpu.memref_slice %arg4[%add3A, %add3A_96, %dma_wait3A_118] : memref<32x80x128xi32, #tpu.memory_space<hbm>> -> memref<1x1x128xi32, #tpu.memory_space<hbm>>
      %dma_wait3A_120 = tpu.memref_squeeze %dma_wait3A_119 : memref<1x1x128xi32, #tpu.memory_space<hbm>> -> memref<128xi32, #tpu.memory_space<hbm>>
      tpu.wait_dma2 semaphore(%arg14 : memref<!tpu.dma_semaphore, #tpu.memory_space<semaphore_mem>>) src(%dma_wait3A_120 : memref<128xi32, #tpu.memory_space<hbm>>) dst(%dma_wait3A_117 : memref<128xi32, #tpu.memory_space<vmem>>)
      %run_scoped3A_121 = arith.constant 1 : i32
      %run_scoped3A_122 = arith.constant 1 : i32
      "tpu.region"() ({
        %run_scoped3A_130 = tpu.sem_alloc : memref<!tpu.dma_semaphore, #tpu.memory_space<semaphore_mem>>
        %dma_start3A_131 = arith.constant 0 : i32
        %dma_start3A_132 = arith.constant 0 : i32
        %dma_start3A_133 = tpu.memref_slice %arg9[%run_scoped3A_121, %dma_start3A_131, %dma_start3A_132] : memref<2x128x128xf32, #tpu.memory_space<vmem>> -> memref<1x128x128xf32, #tpu.memory_space<vmem>>
        %dma_start3A_134 = tpu.memref_squeeze %dma_start3A_133 : memref<1x128x128xf32, #tpu.memory_space<vmem>> -> memref<128x128xf32, #tpu.memory_space<vmem>>
        %dma_start3A_135 = arith.constant 0 : i32
        %dma_start3A_136 = tpu.memref_slice %arg8[%run_scoped3A_122, %dma_start3A_135] : memref<2x128xi32, #tpu.memory_space<vmem>> -> memref<1x128xi32, #tpu.memory_space<vmem>>
        %dma_start3A_137 = tpu.memref_squeeze %dma_start3A_136 : memref<1x128xi32, #tpu.memory_space<vmem>> -> memref<128xi32, #tpu.memory_space<vmem>>
        %dma_start3A_138 = arith.constant 0 : i32
        %dma_start3A_139 = arith.constant 0 : i32
        %dma_start3A_140 = tpu.memref_slice %arg10[%dma_start3A_138, %dma_start3A_139] : memref<10240x128xf32, #tpu.memory_space<vmem_shared>> -> memref<10240x128xf32, #tpu.memory_space<vmem_shared>>
        tpu.enqueue_indirect_dma source(%dma_start3A_134 : memref<128x128xf32, #tpu.memory_space<vmem>>) target(%dma_start3A_140 : memref<10240x128xf32, #tpu.memory_space<vmem_shared>>) offsets(%dma_start3A_137 : memref<128xi32, #tpu.memory_space<vmem>>) semaphore(%run_scoped3A_130 : memref<!tpu.dma_semaphore, #tpu.memory_space<semaphore_mem>>) {add = true}
        %dma_wait3A_141 = arith.constant 0 : i32
        %dma_wait3A_142 = arith.constant 0 : i32
        %dma_wait3A_143 = tpu.memref_slice %arg9[%run_scoped3A_121, %dma_wait3A_141, %dma_wait3A_142] : memref<2x128x128xf32, #tpu.memory_space<vmem>> -> memref<1x128x128xf32, #tpu.memory_space<vmem>>
        %dma_wait3A_144 = tpu.memref_squeeze %dma_wait3A_143 : memref<1x128x128xf32, #tpu.memory_space<vmem>> -> memref<128x128xf32, #tpu.memory_space<vmem>>
        %dma_wait3A_145 = arith.constant 0 : i32
        %dma_wait3A_146 = tpu.memref_slice %arg8[%run_scoped3A_122, %dma_wait3A_145] : memref<2x128xi32, #tpu.memory_space<vmem>> -> memref<1x128xi32, #tpu.memory_space<vmem>>
        %dma_wait3A_147 = tpu.memref_squeeze %dma_wait3A_146 : memref<1x128xi32, #tpu.memory_space<vmem>> -> memref<128xi32, #tpu.memory_space<vmem>>
        %dma_wait3A_148 = arith.constant 0 : i32
        %dma_wait3A_149 = arith.constant 0 : i32
        %dma_wait3A_150 = tpu.memref_slice %arg10[%dma_wait3A_148, %dma_wait3A_149] : memref<10240x128xf32, #tpu.memory_space<vmem_shared>> -> memref<10240x128xf32, #tpu.memory_space<vmem_shared>>
        tpu.wait_indirect_dma semaphore(%run_scoped3A_130 : memref<!tpu.dma_semaphore, #tpu.memory_space<semaphore_mem>>) src(%dma_wait3A_144 : memref<128x128xf32, #tpu.memory_space<vmem>>) dst(%dma_wait3A_150 : memref<10240x128xf32, #tpu.memory_space<vmem_shared>>)
        tpu.yield
      }) : () -> ()
      %add3A_123 = arith.constant 2 : i32
      %add3A_124 = arith.addi %add3A_96, %add3A_123 : i32
      %lt3A_125 = arith.constant 80 : i32
      %lt3A_126 = arith.cmpi slt, %add3A_124, %lt3A_125 : i32
      %convert_element_type3A_127 = arith.extui %lt3A_126 : i1 to i32
      %cond3A_128 = arith.constant 0 : i32
      %cond3A_129 = arith.cmpi ne, %convert_element_type3A_127, %cond3A_128 : i32
      scf.if %cond3A_129 {
        %add3A_130 = arith.constant 2 : i32
        %add3A_131 = arith.addi %add3A_96, %add3A_130 : i32
        %dma_start3A_132 = arith.constant 1 : i32
        %dma_start3A_133 = arith.constant 0 : i32
        %dma_start3A_134 = arith.constant 0 : i32
        %dma_start3A_135 = tpu.memref_slice %arg9[%dma_start3A_132, %dma_start3A_133, %dma_start3A_134] : memref<2x128x128xf32, #tpu.memory_space<vmem>> -> memref<1x128x128xf32, #tpu.memory_space<vmem>>
        %dma_start3A_136 = tpu.memref_squeeze %dma_start3A_135 : memref<1x128x128xf32, #tpu.memory_space<vmem>> -> memref<128x128xf32, #tpu.memory_space<vmem>>
        %dma_start3A_137 = arith.constant 0 : i32
        %dma_start3A_138 = tpu.memref_slice %arg7[%add3A_131, %dma_start3A_137] : memref<80x128xi32, #tpu.memory_space<vmem>> -> memref<1x128xi32, #tpu.memory_space<vmem>>
        %dma_start3A_139 = tpu.memref_squeeze %dma_start3A_138 : memref<1x128xi32, #tpu.memory_space<vmem>> -> memref<128xi32, #tpu.memory_space<vmem>>
        %dma_start3A_140 = arith.constant 0 : i32
        %dma_start3A_141 = arith.constant 0 : i32
        %dma_start3A_142 = tpu.memref_slice %arg2[%dma_start3A_140, %dma_start3A_141] : memref<10240x128xf32, #tpu.memory_space<hbm>> -> memref<10240x128xf32, #tpu.memory_space<hbm>>
        tpu.enqueue_indirect_dma source(%dma_start3A_142 : memref<10240x128xf32, #tpu.memory_space<hbm>>) target(%dma_start3A_136 : memref<128x128xf32, #tpu.memory_space<vmem>>) offsets(%dma_start3A_139 : memref<128xi32, #tpu.memory_space<vmem>>) semaphore(%arg12 : memref<!tpu.dma_semaphore, #tpu.memory_space<semaphore_mem>>)
        %add3A_143 = arith.constant 2 : i32
        %add3A_144 = arith.addi %add3A_96, %add3A_143 : i32
        %dma_start3A_145 = arith.constant 1 : i32
        %dma_start3A_146 = arith.constant 0 : i32
        %dma_start3A_147 = tpu.memref_slice %arg8[%dma_start3A_145, %dma_start3A_146] : memref<2x128xi32, #tpu.memory_space<vmem>> -> memref<1x128xi32, #tpu.memory_space<vmem>>
        %dma_start3A_148 = tpu.memref_squeeze %dma_start3A_147 : memref<1x128xi32, #tpu.memory_space<vmem>> -> memref<128xi32, #tpu.memory_space<vmem>>
        %dma_start3A_149 = arith.constant 0 : i32
        %dma_start3A_150 = tpu.memref_slice %arg4[%add3A, %add3A_144, %dma_start3A_149] : memref<32x80x128xi32, #tpu.memory_space<hbm>> -> memref<1x1x128xi32, #tpu.memory_space<hbm>>
        %dma_start3A_151 = tpu.memref_squeeze %dma_start3A_150 : memref<1x1x128xi32, #tpu.memory_space<hbm>> -> memref<128xi32, #tpu.memory_space<hbm>>
        %dma_start3A_152 = arith.constant 0 : i32
        %dma_start3A_153 = tpu.memref_slice %arg8[%dma_start3A_145, %dma_start3A_152] : memref<2x128xi32, #tpu.memory_space<vmem>> -> memref<1x128xi32, #tpu.memory_space<vmem>>
        %dma_start3A_154 = tpu.memref_squeeze %dma_start3A_153 : memref<1x128xi32, #tpu.memory_space<vmem>> -> memref<128xi32, #tpu.memory_space<vmem>>
        %dma_start3A_155 = arith.constant 0 : i32
        %dma_start3A_156 = tpu.memref_slice %arg4[%add3A, %add3A_144, %dma_start3A_155] : memref<32x80x128xi32, #tpu.memory_space<hbm>> -> memref<1x1x128xi32, #tpu.memory_space<hbm>>
        %dma_start3A_157 = tpu.memref_squeeze %dma_start3A_156 : memref<1x1x128xi32, #tpu.memory_space<hbm>> -> memref<128xi32, #tpu.memory_space<hbm>>
        tpu.enqueue_dma source(%dma_start3A_157 : memref<128xi32, #tpu.memory_space<hbm>>) target(%dma_start3A_154 : memref<128xi32, #tpu.memory_space<vmem>>) target_semaphore(%arg14 : memref<!tpu.dma_semaphore, #tpu.memory_space<semaphore_mem>>)
      } else {
      }
    }
    %scan3A_58 = arith.constant 40 : i32
    %barrier3A_59 = arith.constant 0 : index
    tpu.barrier barrier_id(%barrier3A_59)
    "tpu.trace_stop"() : () -> ()
    "tpu.trace_start"() <{level = 10 : i32, message = "agg_publish"}> : () -> ()
    "tpu.region"() ({
      %run_scoped3A = tpu.sem_alloc : memref<!tpu.dma_semaphore, #tpu.memory_space<semaphore_mem>>
      %dma_start3A_60 = arith.constant 0 : i32
      %dma_start3A_61 = tpu.memref_slice %arg6[%arg0, %mul3A_2, %dma_start3A_60] : memref<2x10240x128xf32, #tpu.memory_space<hbm>> -> memref<1x640x128xf32, #tpu.memory_space<hbm>>
      %dma_start3A_62 = tpu.memref_squeeze %dma_start3A_61 : memref<1x640x128xf32, #tpu.memory_space<hbm>> -> memref<640x128xf32, #tpu.memory_space<hbm>>
      %dma_start3A_63 = arith.constant 0 : i32
      %dma_start3A_64 = tpu.memref_slice %arg10[%mul3A_2, %dma_start3A_63] : memref<10240x128xf32, #tpu.memory_space<vmem_shared>> -> memref<640x128xf32, #tpu.memory_space<vmem_shared>>
      tpu.enqueue_dma source(%dma_start3A_64 : memref<640x128xf32, #tpu.memory_space<vmem_shared>>) target(%dma_start3A_62 : memref<640x128xf32, #tpu.memory_space<hbm>>) target_semaphore(%run_scoped3A : memref<!tpu.dma_semaphore, #tpu.memory_space<semaphore_mem>>)
      %dma_wait3A = arith.constant 0 : i32
      %dma_wait3A_65 = tpu.memref_slice %arg6[%arg0, %mul3A_2, %dma_wait3A] : memref<2x10240x128xf32, #tpu.memory_space<hbm>> -> memref<1x640x128xf32, #tpu.memory_space<hbm>>
      %dma_wait3A_66 = tpu.memref_squeeze %dma_wait3A_65 : memref<1x640x128xf32, #tpu.memory_space<hbm>> -> memref<640x128xf32, #tpu.memory_space<hbm>>
      %dma_wait3A_67 = arith.constant 0 : i32
      %dma_wait3A_68 = tpu.memref_slice %arg10[%mul3A_2, %dma_wait3A_67] : memref<10240x128xf32, #tpu.memory_space<vmem_shared>> -> memref<640x128xf32, #tpu.memory_space<vmem_shared>>
      tpu.wait_dma2 semaphore(%run_scoped3A : memref<!tpu.dma_semaphore, #tpu.memory_space<semaphore_mem>>) src(%dma_wait3A_68 : memref<640x128xf32, #tpu.memory_space<vmem_shared>>) dst(%dma_wait3A_66 : memref<640x128xf32, #tpu.memory_space<hbm>>)
      tpu.yield
    }) : () -> ()
    "tpu.trace_stop"() : () -> ()
    return
  }
}

#map = affine_map<(d0, d1) -> (0, 0)>
#map1 = affine_map<(d0, d1) -> (0, 0, 0)>
module attributes {stable_mosaic.version = 14 : i64} {
  func.func @sc_agg(%arg0: i32, %arg1: i32, %arg2: memref<10240x128xf32, #tpu.memory_space<hbm>>, %arg3: memref<32x80x128xi32, #tpu.memory_space<hbm>>, %arg4: memref<32x80x128xi32, #tpu.memory_space<hbm>>, %arg5: memref<10240x128xf32, #tpu.memory_space<hbm>>, %arg6: memref<2x10240x128xf32, #tpu.memory_space<hbm>>, %arg7: memref<80x128xi32, #tpu.memory_space<vmem>>, %arg8: memref<2x128xi32, #tpu.memory_space<vmem>>, %arg9: memref<2x128x128xf32, #tpu.memory_space<vmem>>, %arg10: memref<10240x128xf32, #tpu.memory_space<vmem_shared>>, %arg11: memref<!tpu.dma_semaphore, #tpu.memory_space<semaphore_mem>>, %arg12: memref<!tpu.dma_semaphore, #tpu.memory_space<semaphore_mem>>, %arg13: memref<!tpu.dma_semaphore, #tpu.memory_space<semaphore_mem>>, %arg14: memref<!tpu.dma_semaphore, #tpu.memory_space<semaphore_mem>>) attributes {dimension_semantics = [#tpu.dimension_semantics<core_parallel>, #tpu.dimension_semantics<subcore_parallel>], iteration_bounds = array<i64: 2, 16>, scalar_prefetch = 0 : i64, scratch_operands = 8 : i64, tpu.core_type = #tpu.core_type<sc_vector_subcore>, window_params = [{transform_indices = #map}, {transform_indices = #map1}, {transform_indices = #map1}, {transform_indices = #map}, {transform_indices = #map1}]} {
    %mul3A = arith.constant 16 : i32
    %mul3A_0 = arith.muli %arg0, %mul3A : i32
    %add3A = arith.addi %mul3A_0, %arg1 : i32
    "tpu.trace_start"() <{level = 10 : i32, message = "agg_stage"}> : () -> ()
    "tpu.region"() ({
      %run_scoped3A = tpu.sem_alloc : memref<!tpu.dma_semaphore, #tpu.memory_space<semaphore_mem>>
      %dma_start3A_60 = arith.constant 0 : i32
      %dma_start3A_61 = arith.constant 0 : i32
      %dma_start3A_62 = tpu.memref_slice %arg3[%add3A, %dma_start3A_60, %dma_start3A_61] : memref<32x80x128xi32, #tpu.memory_space<hbm>> -> memref<1x80x128xi32, #tpu.memory_space<hbm>>
      %dma_start3A_63 = tpu.memref_squeeze %dma_start3A_62 : memref<1x80x128xi32, #tpu.memory_space<hbm>> -> memref<80x128xi32, #tpu.memory_space<hbm>>
      %dma_start3A_64 = arith.constant 0 : i32
      %dma_start3A_65 = arith.constant 0 : i32
      %dma_start3A_66 = tpu.memref_slice %arg3[%add3A, %dma_start3A_64, %dma_start3A_65] : memref<32x80x128xi32, #tpu.memory_space<hbm>> -> memref<1x80x128xi32, #tpu.memory_space<hbm>>
      %dma_start3A_67 = tpu.memref_squeeze %dma_start3A_66 : memref<1x80x128xi32, #tpu.memory_space<hbm>> -> memref<80x128xi32, #tpu.memory_space<hbm>>
      tpu.enqueue_dma source(%dma_start3A_67 : memref<80x128xi32, #tpu.memory_space<hbm>>) target(%arg7 : memref<80x128xi32, #tpu.memory_space<vmem>>) target_semaphore(%run_scoped3A : memref<!tpu.dma_semaphore, #tpu.memory_space<semaphore_mem>>)
      %dma_wait3A = arith.constant 0 : i32
      %dma_wait3A_68 = arith.constant 0 : i32
      %dma_wait3A_69 = tpu.memref_slice %arg3[%add3A, %dma_wait3A, %dma_wait3A_68] : memref<32x80x128xi32, #tpu.memory_space<hbm>> -> memref<1x80x128xi32, #tpu.memory_space<hbm>>
      %dma_wait3A_70 = tpu.memref_squeeze %dma_wait3A_69 : memref<1x80x128xi32, #tpu.memory_space<hbm>> -> memref<80x128xi32, #tpu.memory_space<hbm>>
      %dma_wait3A_71 = arith.constant 0 : i32
      %dma_wait3A_72 = arith.constant 0 : i32
      %dma_wait3A_73 = tpu.memref_slice %arg3[%add3A, %dma_wait3A_71, %dma_wait3A_72] : memref<32x80x128xi32, #tpu.memory_space<hbm>> -> memref<1x80x128xi32, #tpu.memory_space<hbm>>
      %dma_wait3A_74 = tpu.memref_squeeze %dma_wait3A_73 : memref<1x80x128xi32, #tpu.memory_space<hbm>> -> memref<80x128xi32, #tpu.memory_space<hbm>>
      tpu.wait_dma2 semaphore(%run_scoped3A : memref<!tpu.dma_semaphore, #tpu.memory_space<semaphore_mem>>) src(%dma_wait3A_74 : memref<80x128xi32, #tpu.memory_space<hbm>>) dst(%arg7 : memref<80x128xi32, #tpu.memory_space<vmem>>)
      tpu.yield
    }) : () -> ()
    %mul3A_1 = arith.constant 640 : i32
    %mul3A_2 = arith.muli %arg1, %mul3A_1 : i32
    "tpu.region"() ({
      %run_scoped3A = tpu.sem_alloc : memref<!tpu.dma_semaphore, #tpu.memory_space<semaphore_mem>>
      %dma_start3A_60 = arith.constant 0 : i32
      %dma_start3A_61 = tpu.memref_slice %arg10[%mul3A_2, %dma_start3A_60] : memref<10240x128xf32, #tpu.memory_space<vmem_shared>> -> memref<640x128xf32, #tpu.memory_space<vmem_shared>>
      %dma_start3A_62 = arith.constant 0 : i32
      %dma_start3A_63 = tpu.memref_slice %arg5[%mul3A_2, %dma_start3A_62] : memref<10240x128xf32, #tpu.memory_space<hbm>> -> memref<640x128xf32, #tpu.memory_space<hbm>>
      tpu.enqueue_dma source(%dma_start3A_63 : memref<640x128xf32, #tpu.memory_space<hbm>>) target(%dma_start3A_61 : memref<640x128xf32, #tpu.memory_space<vmem_shared>>) target_semaphore(%run_scoped3A : memref<!tpu.dma_semaphore, #tpu.memory_space<semaphore_mem>>)
      %dma_wait3A = arith.constant 0 : i32
      %dma_wait3A_64 = tpu.memref_slice %arg10[%mul3A_2, %dma_wait3A] : memref<10240x128xf32, #tpu.memory_space<vmem_shared>> -> memref<640x128xf32, #tpu.memory_space<vmem_shared>>
      %dma_wait3A_65 = arith.constant 0 : i32
      %dma_wait3A_66 = tpu.memref_slice %arg5[%mul3A_2, %dma_wait3A_65] : memref<10240x128xf32, #tpu.memory_space<hbm>> -> memref<640x128xf32, #tpu.memory_space<hbm>>
      tpu.wait_dma2 semaphore(%run_scoped3A : memref<!tpu.dma_semaphore, #tpu.memory_space<semaphore_mem>>) src(%dma_wait3A_66 : memref<640x128xf32, #tpu.memory_space<hbm>>) dst(%dma_wait3A_64 : memref<640x128xf32, #tpu.memory_space<vmem_shared>>)
      tpu.yield
    }) : () -> ()
    %barrier3A = arith.constant 0 : index
    tpu.barrier barrier_id(%barrier3A)
    %dma_start3A = arith.constant 0 : i32
    %dma_start3A_3 = arith.constant 0 : i32
    "tpu.trace_stop"() : () -> ()
    %dma_start3A_4 = arith.constant 0 : i32
    %dma_start3A_5 = arith.constant 0 : i32
    %dma_start3A_6 = tpu.memref_slice %arg9[%dma_start3A_3, %dma_start3A_4, %dma_start3A_5] : memref<2x128x128xf32, #tpu.memory_space<vmem>> -> memref<1x128x128xf32, #tpu.memory_space<vmem>>
    %dma_start3A_7 = tpu.memref_squeeze %dma_start3A_6 : memref<1x128x128xf32, #tpu.memory_space<vmem>> -> memref<128x128xf32, #tpu.memory_space<vmem>>
    %dma_start3A_8 = arith.constant 0 : i32
    %dma_start3A_9 = tpu.memref_slice %arg7[%dma_start3A, %dma_start3A_8] : memref<80x128xi32, #tpu.memory_space<vmem>> -> memref<1x128xi32, #tpu.memory_space<vmem>>
    %dma_start3A_10 = tpu.memref_squeeze %dma_start3A_9 : memref<1x128xi32, #tpu.memory_space<vmem>> -> memref<128xi32, #tpu.memory_space<vmem>>
    %dma_start3A_11 = arith.constant 0 : i32
    %dma_start3A_12 = arith.constant 0 : i32
    %dma_start3A_13 = tpu.memref_slice %arg2[%dma_start3A_11, %dma_start3A_12] : memref<10240x128xf32, #tpu.memory_space<hbm>> -> memref<10240x128xf32, #tpu.memory_space<hbm>>
    tpu.enqueue_indirect_dma source(%dma_start3A_13 : memref<10240x128xf32, #tpu.memory_space<hbm>>) target(%dma_start3A_7 : memref<128x128xf32, #tpu.memory_space<vmem>>) offsets(%dma_start3A_10 : memref<128xi32, #tpu.memory_space<vmem>>) semaphore(%arg11 : memref<!tpu.dma_semaphore, #tpu.memory_space<semaphore_mem>>)
    %dma_start3A_14 = arith.constant 0 : i32
    %dma_start3A_15 = arith.constant 0 : i32
    %dma_start3A_16 = arith.constant 0 : i32
    %dma_start3A_17 = tpu.memref_slice %arg8[%dma_start3A_15, %dma_start3A_16] : memref<2x128xi32, #tpu.memory_space<vmem>> -> memref<1x128xi32, #tpu.memory_space<vmem>>
    %dma_start3A_18 = tpu.memref_squeeze %dma_start3A_17 : memref<1x128xi32, #tpu.memory_space<vmem>> -> memref<128xi32, #tpu.memory_space<vmem>>
    %dma_start3A_19 = arith.constant 0 : i32
    %dma_start3A_20 = tpu.memref_slice %arg4[%add3A, %dma_start3A_14, %dma_start3A_19] : memref<32x80x128xi32, #tpu.memory_space<hbm>> -> memref<1x1x128xi32, #tpu.memory_space<hbm>>
    %dma_start3A_21 = tpu.memref_squeeze %dma_start3A_20 : memref<1x1x128xi32, #tpu.memory_space<hbm>> -> memref<128xi32, #tpu.memory_space<hbm>>
    %dma_start3A_22 = arith.constant 0 : i32
    %dma_start3A_23 = tpu.memref_slice %arg8[%dma_start3A_15, %dma_start3A_22] : memref<2x128xi32, #tpu.memory_space<vmem>> -> memref<1x128xi32, #tpu.memory_space<vmem>>
    %dma_start3A_24 = tpu.memref_squeeze %dma_start3A_23 : memref<1x128xi32, #tpu.memory_space<vmem>> -> memref<128xi32, #tpu.memory_space<vmem>>
    %dma_start3A_25 = arith.constant 0 : i32
    %dma_start3A_26 = tpu.memref_slice %arg4[%add3A, %dma_start3A_14, %dma_start3A_25] : memref<32x80x128xi32, #tpu.memory_space<hbm>> -> memref<1x1x128xi32, #tpu.memory_space<hbm>>
    %dma_start3A_27 = tpu.memref_squeeze %dma_start3A_26 : memref<1x1x128xi32, #tpu.memory_space<hbm>> -> memref<128xi32, #tpu.memory_space<hbm>>
    tpu.enqueue_dma source(%dma_start3A_27 : memref<128xi32, #tpu.memory_space<hbm>>) target(%dma_start3A_24 : memref<128xi32, #tpu.memory_space<vmem>>) target_semaphore(%arg13 : memref<!tpu.dma_semaphore, #tpu.memory_space<semaphore_mem>>)
    %dma_start3A_28 = arith.constant 1 : i32
    %dma_start3A_29 = arith.constant 1 : i32
    %dma_start3A_30 = arith.constant 0 : i32
    %dma_start3A_31 = arith.constant 0 : i32
    %dma_start3A_32 = tpu.memref_slice %arg9[%dma_start3A_29, %dma_start3A_30, %dma_start3A_31] : memref<2x128x128xf32, #tpu.memory_space<vmem>> -> memref<1x128x128xf32, #tpu.memory_space<vmem>>
    %dma_start3A_33 = tpu.memref_squeeze %dma_start3A_32 : memref<1x128x128xf32, #tpu.memory_space<vmem>> -> memref<128x128xf32, #tpu.memory_space<vmem>>
    %dma_start3A_34 = arith.constant 0 : i32
    %dma_start3A_35 = tpu.memref_slice %arg7[%dma_start3A_28, %dma_start3A_34] : memref<80x128xi32, #tpu.memory_space<vmem>> -> memref<1x128xi32, #tpu.memory_space<vmem>>
    %dma_start3A_36 = tpu.memref_squeeze %dma_start3A_35 : memref<1x128xi32, #tpu.memory_space<vmem>> -> memref<128xi32, #tpu.memory_space<vmem>>
    %dma_start3A_37 = arith.constant 0 : i32
    %dma_start3A_38 = arith.constant 0 : i32
    %dma_start3A_39 = tpu.memref_slice %arg2[%dma_start3A_37, %dma_start3A_38] : memref<10240x128xf32, #tpu.memory_space<hbm>> -> memref<10240x128xf32, #tpu.memory_space<hbm>>
    tpu.enqueue_indirect_dma source(%dma_start3A_39 : memref<10240x128xf32, #tpu.memory_space<hbm>>) target(%dma_start3A_33 : memref<128x128xf32, #tpu.memory_space<vmem>>) offsets(%dma_start3A_36 : memref<128xi32, #tpu.memory_space<vmem>>) semaphore(%arg12 : memref<!tpu.dma_semaphore, #tpu.memory_space<semaphore_mem>>)
    %dma_start3A_40 = arith.constant 1 : i32
    %dma_start3A_41 = arith.constant 1 : i32
    %dma_start3A_42 = arith.constant 0 : i32
    %dma_start3A_43 = tpu.memref_slice %arg8[%dma_start3A_41, %dma_start3A_42] : memref<2x128xi32, #tpu.memory_space<vmem>> -> memref<1x128xi32, #tpu.memory_space<vmem>>
    %dma_start3A_44 = tpu.memref_squeeze %dma_start3A_43 : memref<1x128xi32, #tpu.memory_space<vmem>> -> memref<128xi32, #tpu.memory_space<vmem>>
    %dma_start3A_45 = arith.constant 0 : i32
    %dma_start3A_46 = tpu.memref_slice %arg4[%add3A, %dma_start3A_40, %dma_start3A_45] : memref<32x80x128xi32, #tpu.memory_space<hbm>> -> memref<1x1x128xi32, #tpu.memory_space<hbm>>
    %dma_start3A_47 = tpu.memref_squeeze %dma_start3A_46 : memref<1x1x128xi32, #tpu.memory_space<hbm>> -> memref<128xi32, #tpu.memory_space<hbm>>
    %dma_start3A_48 = arith.constant 0 : i32
    %dma_start3A_49 = tpu.memref_slice %arg8[%dma_start3A_41, %dma_start3A_48] : memref<2x128xi32, #tpu.memory_space<vmem>> -> memref<1x128xi32, #tpu.memory_space<vmem>>
    %dma_start3A_50 = tpu.memref_squeeze %dma_start3A_49 : memref<1x128xi32, #tpu.memory_space<vmem>> -> memref<128xi32, #tpu.memory_space<vmem>>
    %dma_start3A_51 = arith.constant 0 : i32
    %dma_start3A_52 = tpu.memref_slice %arg4[%add3A, %dma_start3A_40, %dma_start3A_51] : memref<32x80x128xi32, #tpu.memory_space<hbm>> -> memref<1x1x128xi32, #tpu.memory_space<hbm>>
    %dma_start3A_53 = tpu.memref_squeeze %dma_start3A_52 : memref<1x1x128xi32, #tpu.memory_space<hbm>> -> memref<128xi32, #tpu.memory_space<hbm>>
    tpu.enqueue_dma source(%dma_start3A_53 : memref<128xi32, #tpu.memory_space<hbm>>) target(%dma_start3A_50 : memref<128xi32, #tpu.memory_space<vmem>>) target_semaphore(%arg14 : memref<!tpu.dma_semaphore, #tpu.memory_space<semaphore_mem>>)
    "tpu.trace_start"() <{level = 10 : i32, message = "agg_loop"}> : () -> ()
    %scan3A = arith.constant 0 : i32
    %scan3A_54 = arith.constant 0 : i32
    %scan3A_55 = arith.constant 40 : i32
    %scan3A_56 = arith.addi %scan3A_54, %scan3A_55 : i32
    %scan3A_57 = arith.constant 1 : i32
    scf.for %scan3A_60 = %scan3A_54 to %scan3A_56 step %scan3A_57  : i32 {
      %mul3A_61 = arith.constant 2 : i32
      %mul3A_62 = arith.muli %scan3A_60, %mul3A_61 : i32
      %add3A_63 = arith.constant 0 : i32
      %add3A_64 = arith.addi %mul3A_62, %add3A_63 : i32
      %dma_wait3A = arith.constant 0 : i32
      %dma_wait3A_65 = arith.constant 0 : i32
      %dma_wait3A_66 = arith.constant 0 : i32
      %dma_wait3A_67 = tpu.memref_slice %arg9[%dma_wait3A, %dma_wait3A_65, %dma_wait3A_66] : memref<2x128x128xf32, #tpu.memory_space<vmem>> -> memref<1x128x128xf32, #tpu.memory_space<vmem>>
      %dma_wait3A_68 = tpu.memref_squeeze %dma_wait3A_67 : memref<1x128x128xf32, #tpu.memory_space<vmem>> -> memref<128x128xf32, #tpu.memory_space<vmem>>
      %dma_wait3A_69 = arith.constant 0 : i32
      %dma_wait3A_70 = tpu.memref_slice %arg7[%add3A_64, %dma_wait3A_69] : memref<80x128xi32, #tpu.memory_space<vmem>> -> memref<1x128xi32, #tpu.memory_space<vmem>>
      %dma_wait3A_71 = tpu.memref_squeeze %dma_wait3A_70 : memref<1x128xi32, #tpu.memory_space<vmem>> -> memref<128xi32, #tpu.memory_space<vmem>>
      %dma_wait3A_72 = arith.constant 0 : i32
      %dma_wait3A_73 = arith.constant 0 : i32
      %dma_wait3A_74 = tpu.memref_slice %arg2[%dma_wait3A_72, %dma_wait3A_73] : memref<10240x128xf32, #tpu.memory_space<hbm>> -> memref<10240x128xf32, #tpu.memory_space<hbm>>
      tpu.wait_indirect_dma semaphore(%arg11 : memref<!tpu.dma_semaphore, #tpu.memory_space<semaphore_mem>>) src(%dma_wait3A_74 : memref<10240x128xf32, #tpu.memory_space<hbm>>) dst(%dma_wait3A_68 : memref<128x128xf32, #tpu.memory_space<vmem>>)
      %dma_wait3A_75 = arith.constant 0 : i32
      %dma_wait3A_76 = arith.constant 0 : i32
      %dma_wait3A_77 = tpu.memref_slice %arg8[%dma_wait3A_75, %dma_wait3A_76] : memref<2x128xi32, #tpu.memory_space<vmem>> -> memref<1x128xi32, #tpu.memory_space<vmem>>
      %dma_wait3A_78 = tpu.memref_squeeze %dma_wait3A_77 : memref<1x128xi32, #tpu.memory_space<vmem>> -> memref<128xi32, #tpu.memory_space<vmem>>
      %dma_wait3A_79 = arith.constant 0 : i32
      %dma_wait3A_80 = tpu.memref_slice %arg4[%add3A, %add3A_64, %dma_wait3A_79] : memref<32x80x128xi32, #tpu.memory_space<hbm>> -> memref<1x1x128xi32, #tpu.memory_space<hbm>>
      %dma_wait3A_81 = tpu.memref_squeeze %dma_wait3A_80 : memref<1x1x128xi32, #tpu.memory_space<hbm>> -> memref<128xi32, #tpu.memory_space<hbm>>
      %dma_wait3A_82 = arith.constant 0 : i32
      %dma_wait3A_83 = tpu.memref_slice %arg8[%dma_wait3A_75, %dma_wait3A_82] : memref<2x128xi32, #tpu.memory_space<vmem>> -> memref<1x128xi32, #tpu.memory_space<vmem>>
      %dma_wait3A_84 = tpu.memref_squeeze %dma_wait3A_83 : memref<1x128xi32, #tpu.memory_space<vmem>> -> memref<128xi32, #tpu.memory_space<vmem>>
      %dma_wait3A_85 = arith.constant 0 : i32
      %dma_wait3A_86 = tpu.memref_slice %arg4[%add3A, %add3A_64, %dma_wait3A_85] : memref<32x80x128xi32, #tpu.memory_space<hbm>> -> memref<1x1x128xi32, #tpu.memory_space<hbm>>
      %dma_wait3A_87 = tpu.memref_squeeze %dma_wait3A_86 : memref<1x1x128xi32, #tpu.memory_space<hbm>> -> memref<128xi32, #tpu.memory_space<hbm>>
      tpu.wait_dma2 semaphore(%arg13 : memref<!tpu.dma_semaphore, #tpu.memory_space<semaphore_mem>>) src(%dma_wait3A_87 : memref<128xi32, #tpu.memory_space<hbm>>) dst(%dma_wait3A_84 : memref<128xi32, #tpu.memory_space<vmem>>)
      %run_scoped3A = arith.constant 0 : i32
      %run_scoped3A_88 = arith.constant 0 : i32
      "tpu.region"() ({
        %run_scoped3A_130 = tpu.sem_alloc : memref<!tpu.dma_semaphore, #tpu.memory_space<semaphore_mem>>
        %dma_start3A_131 = arith.constant 0 : i32
        %dma_start3A_132 = arith.constant 0 : i32
        %dma_start3A_133 = tpu.memref_slice %arg9[%run_scoped3A, %dma_start3A_131, %dma_start3A_132] : memref<2x128x128xf32, #tpu.memory_space<vmem>> -> memref<1x128x128xf32, #tpu.memory_space<vmem>>
        %dma_start3A_134 = tpu.memref_squeeze %dma_start3A_133 : memref<1x128x128xf32, #tpu.memory_space<vmem>> -> memref<128x128xf32, #tpu.memory_space<vmem>>
        %dma_start3A_135 = arith.constant 0 : i32
        %dma_start3A_136 = tpu.memref_slice %arg8[%run_scoped3A_88, %dma_start3A_135] : memref<2x128xi32, #tpu.memory_space<vmem>> -> memref<1x128xi32, #tpu.memory_space<vmem>>
        %dma_start3A_137 = tpu.memref_squeeze %dma_start3A_136 : memref<1x128xi32, #tpu.memory_space<vmem>> -> memref<128xi32, #tpu.memory_space<vmem>>
        %dma_start3A_138 = arith.constant 0 : i32
        %dma_start3A_139 = arith.constant 0 : i32
        %dma_start3A_140 = tpu.memref_slice %arg10[%dma_start3A_138, %dma_start3A_139] : memref<10240x128xf32, #tpu.memory_space<vmem_shared>> -> memref<10240x128xf32, #tpu.memory_space<vmem_shared>>
        tpu.enqueue_indirect_dma source(%dma_start3A_134 : memref<128x128xf32, #tpu.memory_space<vmem>>) target(%dma_start3A_140 : memref<10240x128xf32, #tpu.memory_space<vmem_shared>>) offsets(%dma_start3A_137 : memref<128xi32, #tpu.memory_space<vmem>>) semaphore(%run_scoped3A_130 : memref<!tpu.dma_semaphore, #tpu.memory_space<semaphore_mem>>) {add = true}
        %dma_wait3A_141 = arith.constant 0 : i32
        %dma_wait3A_142 = arith.constant 0 : i32
        %dma_wait3A_143 = tpu.memref_slice %arg9[%run_scoped3A, %dma_wait3A_141, %dma_wait3A_142] : memref<2x128x128xf32, #tpu.memory_space<vmem>> -> memref<1x128x128xf32, #tpu.memory_space<vmem>>
        %dma_wait3A_144 = tpu.memref_squeeze %dma_wait3A_143 : memref<1x128x128xf32, #tpu.memory_space<vmem>> -> memref<128x128xf32, #tpu.memory_space<vmem>>
        %dma_wait3A_145 = arith.constant 0 : i32
        %dma_wait3A_146 = tpu.memref_slice %arg8[%run_scoped3A_88, %dma_wait3A_145] : memref<2x128xi32, #tpu.memory_space<vmem>> -> memref<1x128xi32, #tpu.memory_space<vmem>>
        %dma_wait3A_147 = tpu.memref_squeeze %dma_wait3A_146 : memref<1x128xi32, #tpu.memory_space<vmem>> -> memref<128xi32, #tpu.memory_space<vmem>>
        %dma_wait3A_148 = arith.constant 0 : i32
        %dma_wait3A_149 = arith.constant 0 : i32
        %dma_wait3A_150 = tpu.memref_slice %arg10[%dma_wait3A_148, %dma_wait3A_149] : memref<10240x128xf32, #tpu.memory_space<vmem_shared>> -> memref<10240x128xf32, #tpu.memory_space<vmem_shared>>
        tpu.wait_indirect_dma semaphore(%run_scoped3A_130 : memref<!tpu.dma_semaphore, #tpu.memory_space<semaphore_mem>>) src(%dma_wait3A_144 : memref<128x128xf32, #tpu.memory_space<vmem>>) dst(%dma_wait3A_150 : memref<10240x128xf32, #tpu.memory_space<vmem_shared>>)
        tpu.yield
      }) : () -> ()
      %add3A_89 = arith.constant 2 : i32
      %add3A_90 = arith.addi %add3A_64, %add3A_89 : i32
      %lt3A = arith.constant 80 : i32
      %lt3A_91 = arith.cmpi slt, %add3A_90, %lt3A : i32
      %convert_element_type3A = arith.extui %lt3A_91 : i1 to i32
      %cond3A = arith.constant 0 : i32
      %cond3A_92 = arith.cmpi ne, %convert_element_type3A, %cond3A : i32
      scf.if %cond3A_92 {
        %add3A_130 = arith.constant 2 : i32
        %add3A_131 = arith.addi %add3A_64, %add3A_130 : i32
        %dma_start3A_132 = arith.constant 0 : i32
        %dma_start3A_133 = arith.constant 0 : i32
        %dma_start3A_134 = arith.constant 0 : i32
        %dma_start3A_135 = tpu.memref_slice %arg9[%dma_start3A_132, %dma_start3A_133, %dma_start3A_134] : memref<2x128x128xf32, #tpu.memory_space<vmem>> -> memref<1x128x128xf32, #tpu.memory_space<vmem>>
        %dma_start3A_136 = tpu.memref_squeeze %dma_start3A_135 : memref<1x128x128xf32, #tpu.memory_space<vmem>> -> memref<128x128xf32, #tpu.memory_space<vmem>>
        %dma_start3A_137 = arith.constant 0 : i32
        %dma_start3A_138 = tpu.memref_slice %arg7[%add3A_131, %dma_start3A_137] : memref<80x128xi32, #tpu.memory_space<vmem>> -> memref<1x128xi32, #tpu.memory_space<vmem>>
        %dma_start3A_139 = tpu.memref_squeeze %dma_start3A_138 : memref<1x128xi32, #tpu.memory_space<vmem>> -> memref<128xi32, #tpu.memory_space<vmem>>
        %dma_start3A_140 = arith.constant 0 : i32
        %dma_start3A_141 = arith.constant 0 : i32
        %dma_start3A_142 = tpu.memref_slice %arg2[%dma_start3A_140, %dma_start3A_141] : memref<10240x128xf32, #tpu.memory_space<hbm>> -> memref<10240x128xf32, #tpu.memory_space<hbm>>
        tpu.enqueue_indirect_dma source(%dma_start3A_142 : memref<10240x128xf32, #tpu.memory_space<hbm>>) target(%dma_start3A_136 : memref<128x128xf32, #tpu.memory_space<vmem>>) offsets(%dma_start3A_139 : memref<128xi32, #tpu.memory_space<vmem>>) semaphore(%arg11 : memref<!tpu.dma_semaphore, #tpu.memory_space<semaphore_mem>>)
        %add3A_143 = arith.constant 2 : i32
        %add3A_144 = arith.addi %add3A_64, %add3A_143 : i32
        %dma_start3A_145 = arith.constant 0 : i32
        %dma_start3A_146 = arith.constant 0 : i32
        %dma_start3A_147 = tpu.memref_slice %arg8[%dma_start3A_145, %dma_start3A_146] : memref<2x128xi32, #tpu.memory_space<vmem>> -> memref<1x128xi32, #tpu.memory_space<vmem>>
        %dma_start3A_148 = tpu.memref_squeeze %dma_start3A_147 : memref<1x128xi32, #tpu.memory_space<vmem>> -> memref<128xi32, #tpu.memory_space<vmem>>
        %dma_start3A_149 = arith.constant 0 : i32
        %dma_start3A_150 = tpu.memref_slice %arg4[%add3A, %add3A_144, %dma_start3A_149] : memref<32x80x128xi32, #tpu.memory_space<hbm>> -> memref<1x1x128xi32, #tpu.memory_space<hbm>>
        %dma_start3A_151 = tpu.memref_squeeze %dma_start3A_150 : memref<1x1x128xi32, #tpu.memory_space<hbm>> -> memref<128xi32, #tpu.memory_space<hbm>>
        %dma_start3A_152 = arith.constant 0 : i32
        %dma_start3A_153 = tpu.memref_slice %arg8[%dma_start3A_145, %dma_start3A_152] : memref<2x128xi32, #tpu.memory_space<vmem>> -> memref<1x128xi32, #tpu.memory_space<vmem>>
        %dma_start3A_154 = tpu.memref_squeeze %dma_start3A_153 : memref<1x128xi32, #tpu.memory_space<vmem>> -> memref<128xi32, #tpu.memory_space<vmem>>
        %dma_start3A_155 = arith.constant 0 : i32
        %dma_start3A_156 = tpu.memref_slice %arg4[%add3A, %add3A_144, %dma_start3A_155] : memref<32x80x128xi32, #tpu.memory_space<hbm>> -> memref<1x1x128xi32, #tpu.memory_space<hbm>>
        %dma_start3A_157 = tpu.memref_squeeze %dma_start3A_156 : memref<1x1x128xi32, #tpu.memory_space<hbm>> -> memref<128xi32, #tpu.memory_space<hbm>>
        tpu.enqueue_dma source(%dma_start3A_157 : memref<128xi32, #tpu.memory_space<hbm>>) target(%dma_start3A_154 : memref<128xi32, #tpu.memory_space<vmem>>) target_semaphore(%arg13 : memref<!tpu.dma_semaphore, #tpu.memory_space<semaphore_mem>>)
      } else {
      }
      %mul3A_93 = arith.constant 2 : i32
      %mul3A_94 = arith.muli %scan3A_60, %mul3A_93 : i32
      %add3A_95 = arith.constant 1 : i32
      %add3A_96 = arith.addi %mul3A_94, %add3A_95 : i32
      %dma_wait3A_97 = arith.constant 1 : i32
      %dma_wait3A_98 = arith.constant 0 : i32
      %dma_wait3A_99 = arith.constant 0 : i32
      %dma_wait3A_100 = tpu.memref_slice %arg9[%dma_wait3A_97, %dma_wait3A_98, %dma_wait3A_99] : memref<2x128x128xf32, #tpu.memory_space<vmem>> -> memref<1x128x128xf32, #tpu.memory_space<vmem>>
      %dma_wait3A_101 = tpu.memref_squeeze %dma_wait3A_100 : memref<1x128x128xf32, #tpu.memory_space<vmem>> -> memref<128x128xf32, #tpu.memory_space<vmem>>
      %dma_wait3A_102 = arith.constant 0 : i32
      %dma_wait3A_103 = tpu.memref_slice %arg7[%add3A_96, %dma_wait3A_102] : memref<80x128xi32, #tpu.memory_space<vmem>> -> memref<1x128xi32, #tpu.memory_space<vmem>>
      %dma_wait3A_104 = tpu.memref_squeeze %dma_wait3A_103 : memref<1x128xi32, #tpu.memory_space<vmem>> -> memref<128xi32, #tpu.memory_space<vmem>>
      %dma_wait3A_105 = arith.constant 0 : i32
      %dma_wait3A_106 = arith.constant 0 : i32
      %dma_wait3A_107 = tpu.memref_slice %arg2[%dma_wait3A_105, %dma_wait3A_106] : memref<10240x128xf32, #tpu.memory_space<hbm>> -> memref<10240x128xf32, #tpu.memory_space<hbm>>
      tpu.wait_indirect_dma semaphore(%arg12 : memref<!tpu.dma_semaphore, #tpu.memory_space<semaphore_mem>>) src(%dma_wait3A_107 : memref<10240x128xf32, #tpu.memory_space<hbm>>) dst(%dma_wait3A_101 : memref<128x128xf32, #tpu.memory_space<vmem>>)
      %dma_wait3A_108 = arith.constant 1 : i32
      %dma_wait3A_109 = arith.constant 0 : i32
      %dma_wait3A_110 = tpu.memref_slice %arg8[%dma_wait3A_108, %dma_wait3A_109] : memref<2x128xi32, #tpu.memory_space<vmem>> -> memref<1x128xi32, #tpu.memory_space<vmem>>
      %dma_wait3A_111 = tpu.memref_squeeze %dma_wait3A_110 : memref<1x128xi32, #tpu.memory_space<vmem>> -> memref<128xi32, #tpu.memory_space<vmem>>
      %dma_wait3A_112 = arith.constant 0 : i32
      %dma_wait3A_113 = tpu.memref_slice %arg4[%add3A, %add3A_96, %dma_wait3A_112] : memref<32x80x128xi32, #tpu.memory_space<hbm>> -> memref<1x1x128xi32, #tpu.memory_space<hbm>>
      %dma_wait3A_114 = tpu.memref_squeeze %dma_wait3A_113 : memref<1x1x128xi32, #tpu.memory_space<hbm>> -> memref<128xi32, #tpu.memory_space<hbm>>
      %dma_wait3A_115 = arith.constant 0 : i32
      %dma_wait3A_116 = tpu.memref_slice %arg8[%dma_wait3A_108, %dma_wait3A_115] : memref<2x128xi32, #tpu.memory_space<vmem>> -> memref<1x128xi32, #tpu.memory_space<vmem>>
      %dma_wait3A_117 = tpu.memref_squeeze %dma_wait3A_116 : memref<1x128xi32, #tpu.memory_space<vmem>> -> memref<128xi32, #tpu.memory_space<vmem>>
      %dma_wait3A_118 = arith.constant 0 : i32
      %dma_wait3A_119 = tpu.memref_slice %arg4[%add3A, %add3A_96, %dma_wait3A_118] : memref<32x80x128xi32, #tpu.memory_space<hbm>> -> memref<1x1x128xi32, #tpu.memory_space<hbm>>
      %dma_wait3A_120 = tpu.memref_squeeze %dma_wait3A_119 : memref<1x1x128xi32, #tpu.memory_space<hbm>> -> memref<128xi32, #tpu.memory_space<hbm>>
      tpu.wait_dma2 semaphore(%arg14 : memref<!tpu.dma_semaphore, #tpu.memory_space<semaphore_mem>>) src(%dma_wait3A_120 : memref<128xi32, #tpu.memory_space<hbm>>) dst(%dma_wait3A_117 : memref<128xi32, #tpu.memory_space<vmem>>)
      %run_scoped3A_121 = arith.constant 1 : i32
      %run_scoped3A_122 = arith.constant 1 : i32
      "tpu.region"() ({
        %run_scoped3A_130 = tpu.sem_alloc : memref<!tpu.dma_semaphore, #tpu.memory_space<semaphore_mem>>
        %dma_start3A_131 = arith.constant 0 : i32
        %dma_start3A_132 = arith.constant 0 : i32
        %dma_start3A_133 = tpu.memref_slice %arg9[%run_scoped3A_121, %dma_start3A_131, %dma_start3A_132] : memref<2x128x128xf32, #tpu.memory_space<vmem>> -> memref<1x128x128xf32, #tpu.memory_space<vmem>>
        %dma_start3A_134 = tpu.memref_squeeze %dma_start3A_133 : memref<1x128x128xf32, #tpu.memory_space<vmem>> -> memref<128x128xf32, #tpu.memory_space<vmem>>
        %dma_start3A_135 = arith.constant 0 : i32
        %dma_start3A_136 = tpu.memref_slice %arg8[%run_scoped3A_122, %dma_start3A_135] : memref<2x128xi32, #tpu.memory_space<vmem>> -> memref<1x128xi32, #tpu.memory_space<vmem>>
        %dma_start3A_137 = tpu.memref_squeeze %dma_start3A_136 : memref<1x128xi32, #tpu.memory_space<vmem>> -> memref<128xi32, #tpu.memory_space<vmem>>
        %dma_start3A_138 = arith.constant 0 : i32
        %dma_start3A_139 = arith.constant 0 : i32
        %dma_start3A_140 = tpu.memref_slice %arg10[%dma_start3A_138, %dma_start3A_139] : memref<10240x128xf32, #tpu.memory_space<vmem_shared>> -> memref<10240x128xf32, #tpu.memory_space<vmem_shared>>
        tpu.enqueue_indirect_dma source(%dma_start3A_134 : memref<128x128xf32, #tpu.memory_space<vmem>>) target(%dma_start3A_140 : memref<10240x128xf32, #tpu.memory_space<vmem_shared>>) offsets(%dma_start3A_137 : memref<128xi32, #tpu.memory_space<vmem>>) semaphore(%run_scoped3A_130 : memref<!tpu.dma_semaphore, #tpu.memory_space<semaphore_mem>>) {add = true}
        %dma_wait3A_141 = arith.constant 0 : i32
        %dma_wait3A_142 = arith.constant 0 : i32
        %dma_wait3A_143 = tpu.memref_slice %arg9[%run_scoped3A_121, %dma_wait3A_141, %dma_wait3A_142] : memref<2x128x128xf32, #tpu.memory_space<vmem>> -> memref<1x128x128xf32, #tpu.memory_space<vmem>>
        %dma_wait3A_144 = tpu.memref_squeeze %dma_wait3A_143 : memref<1x128x128xf32, #tpu.memory_space<vmem>> -> memref<128x128xf32, #tpu.memory_space<vmem>>
        %dma_wait3A_145 = arith.constant 0 : i32
        %dma_wait3A_146 = tpu.memref_slice %arg8[%run_scoped3A_122, %dma_wait3A_145] : memref<2x128xi32, #tpu.memory_space<vmem>> -> memref<1x128xi32, #tpu.memory_space<vmem>>
        %dma_wait3A_147 = tpu.memref_squeeze %dma_wait3A_146 : memref<1x128xi32, #tpu.memory_space<vmem>> -> memref<128xi32, #tpu.memory_space<vmem>>
        %dma_wait3A_148 = arith.constant 0 : i32
        %dma_wait3A_149 = arith.constant 0 : i32
        %dma_wait3A_150 = tpu.memref_slice %arg10[%dma_wait3A_148, %dma_wait3A_149] : memref<10240x128xf32, #tpu.memory_space<vmem_shared>> -> memref<10240x128xf32, #tpu.memory_space<vmem_shared>>
        tpu.wait_indirect_dma semaphore(%run_scoped3A_130 : memref<!tpu.dma_semaphore, #tpu.memory_space<semaphore_mem>>) src(%dma_wait3A_144 : memref<128x128xf32, #tpu.memory_space<vmem>>) dst(%dma_wait3A_150 : memref<10240x128xf32, #tpu.memory_space<vmem_shared>>)
        tpu.yield
      }) : () -> ()
      %add3A_123 = arith.constant 2 : i32
      %add3A_124 = arith.addi %add3A_96, %add3A_123 : i32
      %lt3A_125 = arith.constant 80 : i32
      %lt3A_126 = arith.cmpi slt, %add3A_124, %lt3A_125 : i32
      %convert_element_type3A_127 = arith.extui %lt3A_126 : i1 to i32
      %cond3A_128 = arith.constant 0 : i32
      %cond3A_129 = arith.cmpi ne, %convert_element_type3A_127, %cond3A_128 : i32
      scf.if %cond3A_129 {
        %add3A_130 = arith.constant 2 : i32
        %add3A_131 = arith.addi %add3A_96, %add3A_130 : i32
        %dma_start3A_132 = arith.constant 1 : i32
        %dma_start3A_133 = arith.constant 0 : i32
        %dma_start3A_134 = arith.constant 0 : i32
        %dma_start3A_135 = tpu.memref_slice %arg9[%dma_start3A_132, %dma_start3A_133, %dma_start3A_134] : memref<2x128x128xf32, #tpu.memory_space<vmem>> -> memref<1x128x128xf32, #tpu.memory_space<vmem>>
        %dma_start3A_136 = tpu.memref_squeeze %dma_start3A_135 : memref<1x128x128xf32, #tpu.memory_space<vmem>> -> memref<128x128xf32, #tpu.memory_space<vmem>>
        %dma_start3A_137 = arith.constant 0 : i32
        %dma_start3A_138 = tpu.memref_slice %arg7[%add3A_131, %dma_start3A_137] : memref<80x128xi32, #tpu.memory_space<vmem>> -> memref<1x128xi32, #tpu.memory_space<vmem>>
        %dma_start3A_139 = tpu.memref_squeeze %dma_start3A_138 : memref<1x128xi32, #tpu.memory_space<vmem>> -> memref<128xi32, #tpu.memory_space<vmem>>
        %dma_start3A_140 = arith.constant 0 : i32
        %dma_start3A_141 = arith.constant 0 : i32
        %dma_start3A_142 = tpu.memref_slice %arg2[%dma_start3A_140, %dma_start3A_141] : memref<10240x128xf32, #tpu.memory_space<hbm>> -> memref<10240x128xf32, #tpu.memory_space<hbm>>
        tpu.enqueue_indirect_dma source(%dma_start3A_142 : memref<10240x128xf32, #tpu.memory_space<hbm>>) target(%dma_start3A_136 : memref<128x128xf32, #tpu.memory_space<vmem>>) offsets(%dma_start3A_139 : memref<128xi32, #tpu.memory_space<vmem>>) semaphore(%arg12 : memref<!tpu.dma_semaphore, #tpu.memory_space<semaphore_mem>>)
        %add3A_143 = arith.constant 2 : i32
        %add3A_144 = arith.addi %add3A_96, %add3A_143 : i32
        %dma_start3A_145 = arith.constant 1 : i32
        %dma_start3A_146 = arith.constant 0 : i32
        %dma_start3A_147 = tpu.memref_slice %arg8[%dma_start3A_145, %dma_start3A_146] : memref<2x128xi32, #tpu.memory_space<vmem>> -> memref<1x128xi32, #tpu.memory_space<vmem>>
        %dma_start3A_148 = tpu.memref_squeeze %dma_start3A_147 : memref<1x128xi32, #tpu.memory_space<vmem>> -> memref<128xi32, #tpu.memory_space<vmem>>
        %dma_start3A_149 = arith.constant 0 : i32
        %dma_start3A_150 = tpu.memref_slice %arg4[%add3A, %add3A_144, %dma_start3A_149] : memref<32x80x128xi32, #tpu.memory_space<hbm>> -> memref<1x1x128xi32, #tpu.memory_space<hbm>>
        %dma_start3A_151 = tpu.memref_squeeze %dma_start3A_150 : memref<1x1x128xi32, #tpu.memory_space<hbm>> -> memref<128xi32, #tpu.memory_space<hbm>>
        %dma_start3A_152 = arith.constant 0 : i32
        %dma_start3A_153 = tpu.memref_slice %arg8[%dma_start3A_145, %dma_start3A_152] : memref<2x128xi32, #tpu.memory_space<vmem>> -> memref<1x128xi32, #tpu.memory_space<vmem>>
        %dma_start3A_154 = tpu.memref_squeeze %dma_start3A_153 : memref<1x128xi32, #tpu.memory_space<vmem>> -> memref<128xi32, #tpu.memory_space<vmem>>
        %dma_start3A_155 = arith.constant 0 : i32
        %dma_start3A_156 = tpu.memref_slice %arg4[%add3A, %add3A_144, %dma_start3A_155] : memref<32x80x128xi32, #tpu.memory_space<hbm>> -> memref<1x1x128xi32, #tpu.memory_space<hbm>>
        %dma_start3A_157 = tpu.memref_squeeze %dma_start3A_156 : memref<1x1x128xi32, #tpu.memory_space<hbm>> -> memref<128xi32, #tpu.memory_space<hbm>>
        tpu.enqueue_dma source(%dma_start3A_157 : memref<128xi32, #tpu.memory_space<hbm>>) target(%dma_start3A_154 : memref<128xi32, #tpu.memory_space<vmem>>) target_semaphore(%arg14 : memref<!tpu.dma_semaphore, #tpu.memory_space<semaphore_mem>>)
      } else {
      }
    }
    %scan3A_58 = arith.constant 40 : i32
    %barrier3A_59 = arith.constant 0 : index
    tpu.barrier barrier_id(%barrier3A_59)
    "tpu.trace_stop"() : () -> ()
    "tpu.trace_start"() <{level = 10 : i32, message = "agg_publish"}> : () -> ()
    "tpu.region"() ({
      %run_scoped3A = tpu.sem_alloc : memref<!tpu.dma_semaphore, #tpu.memory_space<semaphore_mem>>
      %dma_start3A_60 = arith.constant 0 : i32
      %dma_start3A_61 = tpu.memref_slice %arg6[%arg0, %mul3A_2, %dma_start3A_60] : memref<2x10240x128xf32, #tpu.memory_space<hbm>> -> memref<1x640x128xf32, #tpu.memory_space<hbm>>
      %dma_start3A_62 = tpu.memref_squeeze %dma_start3A_61 : memref<1x640x128xf32, #tpu.memory_space<hbm>> -> memref<640x128xf32, #tpu.memory_space<hbm>>
      %dma_start3A_63 = arith.constant 0 : i32
      %dma_start3A_64 = tpu.memref_slice %arg10[%mul3A_2, %dma_start3A_63] : memref<10240x128xf32, #tpu.memory_space<vmem_shared>> -> memref<640x128xf32, #tpu.memory_space<vmem_shared>>
      tpu.enqueue_dma source(%dma_start3A_64 : memref<640x128xf32, #tpu.memory_space<vmem_shared>>) target(%dma_start3A_62 : memref<640x128xf32, #tpu.memory_space<hbm>>) target_semaphore(%run_scoped3A : memref<!tpu.dma_semaphore, #tpu.memory_space<semaphore_mem>>)
      %dma_wait3A = arith.constant 0 : i32
      %dma_wait3A_65 = tpu.memref_slice %arg6[%arg0, %mul3A_2, %dma_wait3A] : memref<2x10240x128xf32, #tpu.memory_space<hbm>> -> memref<1x640x128xf32, #tpu.memory_space<hbm>>
      %dma_wait3A_66 = tpu.memref_squeeze %dma_wait3A_65 : memref<1x640x128xf32, #tpu.memory_space<hbm>> -> memref<640x128xf32, #tpu.memory_space<hbm>>
      %dma_wait3A_67 = arith.constant 0 : i32
      %dma_wait3A_68 = tpu.memref_slice %arg10[%mul3A_2, %dma_wait3A_67] : memref<10240x128xf32, #tpu.memory_space<vmem_shared>> -> memref<640x128xf32, #tpu.memory_space<vmem_shared>>
      tpu.wait_dma2 semaphore(%run_scoped3A : memref<!tpu.dma_semaphore, #tpu.memory_space<semaphore_mem>>) src(%dma_wait3A_68 : memref<640x128xf32, #tpu.memory_space<vmem_shared>>) dst(%dma_wait3A_66 : memref<640x128xf32, #tpu.memory_space<hbm>>)
      tpu.yield
    }) : () -> ()
    "tpu.trace_stop"() : () -> ()
    return
  }
}

module attributes {stable_mosaic.version = 14 : i64} {
  func.func @body(%arg0: i32, %arg1: memref<512x128xf32, #tpu.memory_space<vmem>>, %arg2: memref<512x128xf32, #tpu.memory_space<vmem>>, %arg3: memref<512x128xf32, #tpu.memory_space<vmem>>, %arg4: memref<128x512xf32, #tpu.memory_space<vmem>>, %arg5: memref<1x512xf32, #tpu.memory_space<vmem>>, %arg6: memref<512x128xf32, #tpu.memory_space<vmem>>, %arg7: memref<1x128xf32, #tpu.memory_space<vmem>>, %arg8: memref<512x128xf32, #tpu.memory_space<vmem>>) attributes {dimension_semantics = [#tpu.dimension_semantics<arbitrary>], iteration_bounds = array<i64: 20>, scalar_prefetch = 0 : i64, scratch_operands = 0 : i64, tpu.core_type = #tpu.core_type<tc>, window_params = [{transform_indices = @transform_0, window_bounds = array<i64: 512, 128>}, {transform_indices = @transform_1, window_bounds = array<i64: 512, 128>}, {transform_indices = @transform_2, window_bounds = array<i64: 512, 128>}, {pipeline_mode = #tpu.pipeline_mode<synchronous>, transform_indices = @transform_3, window_bounds = array<i64: 128, 512>}, {pipeline_mode = #tpu.pipeline_mode<synchronous>, transform_indices = @transform_4, window_bounds = array<i64: 1, 512>}, {pipeline_mode = #tpu.pipeline_mode<synchronous>, transform_indices = @transform_5, window_bounds = array<i64: 512, 128>}, {pipeline_mode = #tpu.pipeline_mode<synchronous>, transform_indices = @transform_6, window_bounds = array<i64: 1, 128>}, {transform_indices = @transform_7, window_bounds = array<i64: 512, 128>}]} {
    %get3A = arith.constant 0 : index
    %get3A_0 = arith.constant 0 : index
    %get3A_1 = vector.load %arg1[%get3A, %get3A_0] : memref<512x128xf32, #tpu.memory_space<vmem>>, vector<512x128xf32>
    %get3A_2 = arith.constant 0 : index
    %get3A_3 = arith.constant 0 : index
    %get3A_4 = vector.load %arg2[%get3A_2, %get3A_3] : memref<512x128xf32, #tpu.memory_space<vmem>>, vector<512x128xf32>
    %add3A = arith.addf %get3A_1, %get3A_4 : vector<512x128xf32>
    %get3A_5 = arith.constant 0 : index
    %get3A_6 = arith.constant 0 : index
    %get3A_7 = vector.load %arg3[%get3A_5, %get3A_6] : memref<512x128xf32, #tpu.memory_space<vmem>>, vector<512x128xf32>
    %add3A_8 = arith.addf %add3A, %get3A_7 : vector<512x128xf32>
    %get3A_9 = arith.constant 0 : index
    %get3A_10 = arith.constant 0 : index
    %get3A_11 = vector.load %arg4[%get3A_9, %get3A_10] : memref<128x512xf32, #tpu.memory_space<vmem>>, vector<128x512xf32>
    %dot_general3A = arith.constant dense<0.000000e+00> : vector<512x512xf32>
    %dot_general3A_12 = tpu.matmul %add3A_8, %get3A_11, %dot_general3A {dimension_numbers = #tpu.dot_dimension_numbers<[1], [0], [0], [1], [0, 0, 1, 1], [], []>, transpose_lhs_hint = false} : vector<512x128xf32>, vector<128x512xf32>, vector<512x512xf32> -> vector<512x512xf32>
    %get3A_13 = arith.constant 0 : index
    %get3A_14 = arith.constant 0 : index
    %get3A_15 = vector.load %arg5[%get3A_13, %get3A_14] : memref<1x512xf32, #tpu.memory_space<vmem>>, vector<1x512xf32>
    %add3A_16 = vector.broadcast %get3A_15 : vector<1x512xf32> to vector<512x512xf32>
    %add3A_17 = arith.addf %dot_general3A_12, %add3A_16 : vector<512x512xf32>
    %max3A = arith.constant 0.000000e+00 : f32
    %max3A_18 = vector.broadcast %max3A : f32 to vector<512x512xf32>
    %max3A_19 = arith.maximumf %add3A_17, %max3A_18 : vector<512x512xf32>
    %get3A_20 = arith.constant 0 : index
    %get3A_21 = arith.constant 0 : index
    %get3A_22 = vector.load %arg6[%get3A_20, %get3A_21] : memref<512x128xf32, #tpu.memory_space<vmem>>, vector<512x128xf32>
    %dot_general3A_23 = arith.constant dense<0.000000e+00> : vector<512x128xf32>
    %dot_general3A_24 = tpu.matmul %max3A_19, %get3A_22, %dot_general3A_23 {dimension_numbers = #tpu.dot_dimension_numbers<[1], [0], [0], [1], [0, 0, 1, 1], [], []>, transpose_lhs_hint = false} : vector<512x512xf32>, vector<512x128xf32>, vector<512x128xf32> -> vector<512x128xf32>
    %get3A_25 = arith.constant 0 : index
    %get3A_26 = arith.constant 0 : index
    %get3A_27 = vector.load %arg7[%get3A_25, %get3A_26] : memref<1x128xf32, #tpu.memory_space<vmem>>, vector<1x128xf32>
    %add3A_28 = vector.broadcast %get3A_27 : vector<1x128xf32> to vector<512x128xf32>
    %add3A_29 = arith.addf %dot_general3A_24, %add3A_28 : vector<512x128xf32>
    %mul3A = arith.constant 512 : i32
    %mul3A_30 = arith.muli %arg0, %mul3A : i32
    %iota3A = tpu.iota {dimensions = array<i32: 0>} : vector<512x1xi32>
    %add3A_31 = vector.broadcast %mul3A_30 : i32 to vector<512x1xi32>
    %add3A_32 = arith.addi %add3A_31, %iota3A : vector<512x1xi32>
    %lt3A = arith.constant 10000 : i32
    %lt3A_33 = vector.broadcast %lt3A : i32 to vector<512x1xi32>
    %lt3A_34 = arith.cmpi slt, %add3A_32, %lt3A_33 : vector<512x1xi32>
    %jit3A = arith.constant 0.000000e+00 : f32
    %broadcast_in_dim3A = vector.shape_cast %lt3A_34 : vector<512x1xi1> to vector<512x1xi1>
    %broadcast_in_dim3A_35 = vector.broadcast %broadcast_in_dim3A : vector<512x1xi1> to vector<512x128xi1>
    %broadcast_in_dim3A_36 = vector.broadcast %jit3A : f32 to vector<512x128xf32>
    %select_n3A = arith.select %broadcast_in_dim3A_35, %add3A_29, %broadcast_in_dim3A_36 : vector<512x128xi1>, vector<512x128xf32>
    %swap3A = arith.constant 0 : index
    %swap3A_37 = arith.constant 0 : index
    %swap3A_38 = vector.load %arg8[%swap3A, %swap3A_37] : memref<512x128xf32, #tpu.memory_space<vmem>>, vector<512x128xf32>
    tpu.vector_store %arg8[%swap3A, %swap3A_37], %select_n3A {strides = array<i32>} : memref<512x128xf32, #tpu.memory_space<vmem>>, vector<512x128xf32>,
    return
  }
  func.func @transform_0(%arg0: i32) -> (i32, i32) {
    %c0_i32 = arith.constant 0 : i32
    %c0_i32_0 = arith.constant 0 : i32
    return %arg0, %c0_i32 : i32, i32
  }
  func.func @transform_1(%arg0: i32) -> (i32, i32) {
    %c0_i32 = arith.constant 0 : i32
    %c0_i32_0 = arith.constant 0 : i32
    return %arg0, %c0_i32 : i32, i32
  }
  func.func @transform_2(%arg0: i32) -> (i32, i32) {
    %c0_i32 = arith.constant 0 : i32
    %c0_i32_0 = arith.constant 0 : i32
    return %arg0, %c0_i32 : i32, i32
  }
  func.func @transform_3(%arg0: i32) -> (i32, i32) {
    %c0_i32 = arith.constant 0 : i32
    %c0_i32_0 = arith.constant 0 : i32
    %c0_i32_1 = arith.constant 0 : i32
    return %c0_i32, %c0_i32_0 : i32, i32
  }
  func.func @transform_4(%arg0: i32) -> (i32, i32) {
    %c0_i32 = arith.constant 0 : i32
    %c0_i32_0 = arith.constant 0 : i32
    %c0_i32_1 = arith.constant 0 : i32
    return %c0_i32, %c0_i32_0 : i32, i32
  }
  func.func @transform_5(%arg0: i32) -> (i32, i32) {
    %c0_i32 = arith.constant 0 : i32
    %c0_i32_0 = arith.constant 0 : i32
    %c0_i32_1 = arith.constant 0 : i32
    return %c0_i32, %c0_i32_0 : i32, i32
  }
  func.func @transform_6(%arg0: i32) -> (i32, i32) {
    %c0_i32 = arith.constant 0 : i32
    %c0_i32_0 = arith.constant 0 : i32
    %c0_i32_1 = arith.constant 0 : i32
    return %c0_i32, %c0_i32_0 : i32, i32
  }
  func.func @transform_7(%arg0: i32) -> (i32, i32) {
    %c0_i32 = arith.constant 0 : i32
    %c0_i32_0 = arith.constant 0 : i32
    return %arg0, %c0_i32 : i32, i32
  }
}

</mosaic_0001>

<sc_bundles>
// kernel: kernel.6.cloned.1.call-start
scs
__scs_entry_jumppad:
0x0: {  	(pc) =	sbr.rel $0x88, $3  }
0x1: {  	(tag) =	ssettag $0x0;
	lr =	simm.s32 $0x1  }
0x2: {  	[smem:$0x3F97] =	sst lr;
	_ =	strace $0xD0000000  }
0x3: {  	_ = 	snop  }
0x4: {  	_ = 	snop  }
0x5: {  	_ = 	snop  }
0x6: {  	_ = 	snop  }
0x7: {  	_ = 	snop  }
__scs_overlays_trampoline_lowered:
0x8: {  	[smem:$0x3FA6] =	sst s0  }
0x9: {  	[smem:$0x3FA7] =	sst s1  }
0xa: {  	[smem:$0x3FA8] =	sst s2  }
0xb: {  	[smem:$0x3FA9] =	sst s3  }
0xc: {  	[smem:$0x3FAA] =	sst s4  }
0xd: {  	[smem:$0x3FAB] =	sst s5  }
0xe: {  	[smem:$0x3FAC] =	sst s6  }
0xf: {  	[smem:$0x3FAD] =	sst s7  }
0x10: {  	[smem:$0x3FAE] =	sst s8  }
0x11: {  	[smem:$0x3FAF] =	sst s9;
	s0 =	simm.s32 @!p0 $0x0  }
0x12: {  	s1 =	sld [smem:$0x3F95];
	s0 =	simm.s32 @p0 $0x1  }
0x13: {  	[smem:$0x3FB0] =	sst s0;
	s0 =	simm.s32 @!p1 $0x0  }
0x14: {  	s2 =	sld [smem:$0x3F94];
	s0 =	simm.s32 @p1 $0x1  }
0x15: {  	[smem:$0x3FB1] =	sst s0;
	s0 =	simm.s32 @!p2 $0x0  }
0x16: {  	s3 =	sld [smem:$0x3FDB];
	s0 =	simm.s32 @p2 $0x1  }
0x17: {  	s4 =	simm.s32 $0x1BF5;
	[smem:$0x3FB3] =	sst s0  }
0x18: {  	s0 =	sld [smem:$0x3F96];
	_ =	swait.ge [sflag:s4], $0x0  }
0x19: {  	s7 =	sld [smem:$0x3F97]  }
0x1a: {  	s8 =	sadd.s32 $0xFFFFE003, lr  }
0x1b: {  	s9 =	sadd.s32 $0xFFFFFEF7, lr;
	s5 =	simm.s32 $0xFFFFFFFF;
	p2 =	slt.u32 s8, $0xFFFFF086  }
0x1c: {  	p1 =	slt.u32 s9, $0xF7A;
	s5 =	simm.s32 @!p2 $0x0  }
0x1d: {  	s5 =	simm.s32 @p1 $0x1;
	p0 =	seq.s32 s7, s2  }
0x1e: {  	s7 =	smul.u32 @!p0 $0xF7A, s2;
	p2 =	seq.s32 @!p0 s5, $0x0  }
0x1f: {  	s9 =	smul.u32 $0xF7A, s1;
	s8 =	simm.s32 @!p0 $0x1BF5;
	p2 =	por !p2, p0  }
0x20: {  	[sflag:s8] =	ssyncset.s32 @!p0 $0xFFFFF086;
	s6 =	sadd.s32 @!p0 s3, s7;
	s7 =	simm.s32 @!p0 $0x108  }
0x21: {  	s3 =	sadd.s32 s3, s9;
	s6 =	sadd.s32 @!p0 $0x88, s6;
	s7 =	simm.s32 @p2 $0x1082  }
0x22: {  	[simem:s7], [sflag:s8] =	dma.local @!p0 [hbm:s6], $0xF7A  }
0x23: {  	s9 =	sor.u32 $0xD0000000, s2;
	s6 =	simm.s32 $0x108;
	_ =	swait.ge @!p0 [sflag:s8], $0x0  }
0x24: {  	s3 =	sadd.s32 $0x88, s3;
	s6 =	simm.s32 @!p1 $0x1082;
	[sflag:s4] =	ssyncset.s32 $0xFFFFF086  }
0x25: {  	[simem:s6], [sflag:s4] =	dma.local [hbm:s3], $0xF7A  }
0x26: {  	[smem:$0x3F97] =	sst s1;
	(tag) =	ssettag s2;
	_ =	strace s9  }
0x27: {  	s1 =	sld [smem:$0x3FA7]  }
0x28: {  	s2 =	sld [smem:$0x3FA8]  }
0x29: {  	s4 =	sld [smem:$0x3FAA]  }
0x2a: {  	p0 =	seq.s32 s5, $0x0;
	s5 =	sld [smem:$0x3FAB]  }
0x2b: {  	s6 =	sld [smem:$0x3FAC]  }
0x2c: {  	s7 =	sld [smem:$0x3FAD]  }
0x2d: {  	s3 =	simm.s32 $0x108;
	s8 =	sld [smem:$0x3FAE]  }
0x2e: {  	s3 =	simm.s32 @!p0 $0x1082;
	s9 =	sld [smem:$0x3FAF]  }
0x2f: {  	lr =	sadd.s32 s0, s3;
	s0 =	sld [smem:$0x3FA6]  }
0x30: {  	s3 =	sld [smem:$0x3FA9]  }
0x31: {  	[smem:$0x3FB2] =	sst s10  }
0x32: {  	s10 =	sld [smem:$0x3FB0];
	_ =	sdelay $0x3  }
0x33: {  	p0 =	seq.s32 s10, $0x1;
	s10 =	sld [smem:$0x3FB2];
	_ =	sdelay $0x3  }
0x34: {  	[smem:$0x3FB2] =	sst s10  }
0x35: {  	s10 =	sld [smem:$0x3FB1];
	_ =	sdelay $0x3  }
0x36: {  	p1 =	seq.s32 s10, $0x1;
	s10 =	sld [smem:$0x3FB2];
	_ =	sdelay $0x3  }
0x37: {  	[smem:$0x3FB2] =	sst s10  }
0x38: {  	s10 =	sld [smem:$0x3FB3]  }
0x39: {  	_ = 	snop;
	(pc) =	sbr.ind lr, $3  }
0x3a: {  	_ = 	snop  }
0x3b: {  	_ = 	snop  }
0x3c: {  	p2 =	seq.s32 s10, $0x1;
	s10 =	sld [smem:$0x3FB2]  }
0x3d: {  	_ =	shalt  }
0x3e: {  	_ =	shalt  }
0x3f: {  	_ =	shalt  }
0x40: {  	_ =	shalt  }
0x41: {  	_ =	shalt  }
0x42: {  	_ =	shalt  }
0x43: {  	_ =	shalt  }
0x44: {  	_ =	shalt  }
0x45: {  	_ =	shalt  }
0x46: {  	_ =	shalt  }
0x47: {  	_ =	shalt  }
0x48: {  	_ =	shalt  }
0x49: {  	_ =	shalt  }
0x4a: {  	_ =	shalt  }
0x4b: {  	_ =	shalt  }
0x4c: {  	_ =	shalt  }
0x4d: {  	_ =	shalt  }
0x4e: {  	_ =	shalt  }
0x4f: {  	_ =	shalt  }
0x50: {  	_ =	shalt  }
0x51: {  	_ =	shalt  }
0x52: {  	_ =	shalt  }
0x53: {  	_ =	shalt  }
0x54: {  	_ =	shalt  }
0x55: {  	_ =	shalt  }
0x56: {  	_ =	shalt  }
0x57: {  	_ =	shalt  }
0x58: {  	_ =	shalt  }
0x59: {  	_ =	shalt  }
0x5a: {  	_ =	shalt  }
0x5b: {  	_ =	shalt  }
0x5c: {  	_ =	shalt  }
0x5d: {  	_ =	shalt  }
0x5e: {  	_ =	shalt  }
0x5f: {  	_ =	shalt  }
0x60: {  	_ =	shalt  }
0x61: {  	_ =	shalt  }
0x62: {  	_ =	shalt  }
0x63: {  	_ =	shalt  }
0x64: {  	_ =	shalt  }
0x65: {  	_ =	shalt  }
0x66: {  	_ =	shalt  }
0x67: {  	_ =	shalt  }
0x68: {  	_ =	shalt  }
0x69: {  	_ =	shalt  }
0x6a: {  	_ =	shalt  }
0x6b: {  	_ =	shalt  }
0x6c: {  	_ =	shalt  }
0x6d: {  	_ =	shalt  }
0x6e: {  	_ =	shalt  }
0x6f: {  	_ =	shalt  }
0x70: {  	_ =	shalt  }
0x71: {  	_ =	shalt  }
0x72: {  	_ =	shalt  }
0x73: {  	_ =	shalt  }
0x74: {  	_ =	shalt  }
0x75: {  	_ =	shalt  }
0x76: {  	_ =	shalt  }
0x77: {  	_ =	shalt  }
0x78: {  	_ =	shalt  }
0x79: {  	_ =	shalt  }
0x7a: {  	_ =	shalt  }
0x7b: {  	_ =	shalt  }
0x7c: {  	_ =	shalt  }
0x7d: {  	_ =	shalt  }
0x7e: {  	_ =	shalt  }
0x7f: {  	_ =	shalt  }
0x80: {  	_ =	shalt  }
0x81: {  	_ =	shalt  }
0x82: {  	_ =	shalt  }
0x83: {  	_ =	shalt  }
0x84: {  	_ =	shalt  }
0x85: {  	_ =	shalt  }
0x86: {  	_ =	shalt  }
0x87: {  	_ =	shalt  }
.Lfunc_end0:
.L_simem_size_0:
called_computation_lowered:
.L_overlay_start_0:
0x88: {  	s2 =	sld [smem:$0x3FD9]  }
0x89: {  	s3 =	sld [smem:$0x3FFE];
	_ =	sdelay $0x1  }
0x8a: {  	s1 =	srdreg.scid  }
0x8b: {  	s0 =	sand.u32 $0x1, s1  }
0x8c: {  	s17 =	sshll.u32 s0, $0xA;
	s2 =	sadd.s32 s3, s2  }
0x8d: {  	s2 =	sadd.s32 s2, s17  }
0x8e: {  	[smem:$0x3FBE] =	sst s2  }
0x8f: {  	_ = 	snop  }
0x90: {  	s2 =	sld [smem:$0x3FD0];
	(tm) =	ssettm $0x1  }
0x91: {  	s18 =	sld [smem:$0x3FFB];
	_ =	sdelay $0x3  }
0x92: {  	_ =	strace s18  }
0x93: {  	s3 =	sld [smem:$0x3FFC];
	_ =	sdelay $0x3  }
0x94: {  	_ =	strace s3  }
0x95: {  	s3 =	sld [smem:$0x3FFD];
	_ =	sdelay $0x3  }
0x96: {  	_ =	strace s3  }
0x97: {  	_ =	strace $0x8FFFFFFF  }
0x98: {  	s19 =	sld [smem:$0x3FDB];
	_ =	sdelay $0x1  }
0x99: {  	s4 =	simm.s32 $_scs_section_size  }
0x9a: {  	s5 =	simm.s32 $_size__tile_overlayer_lowered;
	s6 =	simm.s32 $_tile_overlayer_lowered  }
0x9b: {  	s22 =	simm.s32 $0x1BFF;
	s21 =	sshll.u32 s6, $0x1;
	s3 =	sadd.s32 s4, s19  }
0x9c: {  	s7 =	simm.s32 $0x0;
	s20 =	sshll.u32 s5, $0x1;
	s5 =	sadd.s32 s21, s3  }
0x9d: {  	[timem:s7], [sflag:s22] =	dma.local [hbm:s5], s20  }
0x9e: {  	_ =	swait.ge [sflag:s22], s20  }
0x9f: {  	s4 =	ssub.s32 $0x0, s20;
	[sflag:s22] =	ssyncset.done $0x0  }
0xa0: {  	[sflag:s22] =	ssyncadd.s32 s4;
	_ =	sdelay $0x1  }
0xa1: {  	s23 =	simm.s32 $0x1B8B  }
0xa2: {  	_ =	swait.ge [sflag:s23], $0x1  }
0xa3: {  	[sflag:s23] =	ssyncset.done $0x0  }
0xa4: {  	s25 =	simm.s32 $0x1B8E;
	s24 =	sld [smem:$0x3FFE];
	[sflag:s23] =	ssyncadd.s32 $0xFFFFFFFF  }
0xa5: {  	s26 =	simm.s32 $execute0_lowered;
	[smem:$0x3FD2] =	sst s25  }
0xa6: {  	s5 =	sshll.u32 s26, $0x1;
	_ =	strace $0x80000046;
	[dreg:$0x1] =	wrdreg $0xFFFFFFFF  }
0xa7: {  	s28 =	simm.s32 $_size_execute0_lowered;
	s3 =	sadd.s32 s3, s5;
	[dreg:$0x0] =	wrdreg $0x0  }
0xa8: {  	s5 =	sshll.u32 s28, $0x1;
	[dreg:$0x2] =	wrdreg s3  }
0xa9: {  	[dreg:$0x3] =	wrdreg s5  }
0xaa: {  	[dreg:$0x4] =	wrdreg $0xC0  }
0xab: {  	_ =	task [dreg:s7], $0x5FFFF  }
0xac: {  	[dreg:$0x1] =	wrdreg $0xFFFFFFFF  }
0xad: {  	[dreg:$0x0] =	wrdreg $0x60  }
0xae: {  	[dreg:$0x2] =	wrdreg s24  }
0xaf: {  	[dreg:$0x3] =	wrdreg s2  }
0xb0: {  	[dreg:$0x4] =	wrdreg $0xA9000  }
0xb1: {  	[dreg:$0x5] =	wrdreg $0x9  }
0xb2: {  	_ =	task.clear_ibuf [dreg:s7], $0x6FFFF;
	_ =	strace $0x90000046  }
0xb3: {  	s29 =	simm.s32 $0x9;
	_ =	strace $0x8000004B  }
0xb4: {  	_ =	swait.ge [sflag:s29], $0x1  }
0xb5: {  	[sflag:s29] =	ssyncadd.s32 $0xFFFFFFFF  }
0xb6: {  	_ =	strace $0x9000004B  }
0xb7: {  	_ =	sfence  }
0xb8: {  	s30 =	sld [smem:$0x0];
	_ =	sdelay $0x2  }
0xb9: {  	s31 =	sshll.u32 s1, $0xD;
	s1 =	sshrl.u32 s1, $0x2  }
0xba: {  	s3 =	sand.u32 $0x4000, s31;
	s1 =	sadd.s32 s1, s30  }
0xbb: {  	s0 =	sor.u32 s3, s0;
	s1 =	sshll.u32 s1, $0x11  }
0xbc: {  	s0 =	sor.u32 s1, s0  }
0xbd: {  	s0 =	sadd.s32 $0x8F2B, s0  }
0xbe: {  	[sflag:s0] =	ssyncadd.remote.s32 $0x1  }
0xbf: {  	_ =	sfence.sel $0xFFFF  }
0xc0: {  	[dreg:$0x0] =	wrdreg $0xFFFFFFFF;
	(pc) =	sbr.abs _section_cstart, $3  }
0xc1: {  	[dreg:$0x1] =	wrdreg $0xFFFFFFFF  }
0xc2: {  	_ =	task.clear_ibuf [dreg:s7], $0x2FFFF;
	_ =	strace $0x9FFFFFFF  }
0xc3: {  	(tm) =	ssettm $0x7FFFFFFF  }
tec
execute0_lowered:
.L_overlay_start_1:
0x0: {  	(tag) =	ssettag $0x1  }
0x1: {  	s7 =	rddreg [dreg:$0x0]  }
0x2: {  	s8 =	rddreg [dreg:$0x1]  }
0x3: {  	s2 =	rddreg [dreg:$0x2]  }
0x4: {  	s0 =	rddreg [dreg:$0x3]  }
0x5: {  	s3 =	simm.s32 $0x0;
	s1 =	stileid.u32;
	s4 =	srdreg.scid  }
0x6: {  	s16 =	simm.s32 $0x80;
	s17 =	simm.s32 $0x2900;
	s18 =	simm.s32 $0x2800  }
0x7: {  	s19 =	simm.s32 $0x6900;
	s20 =	simm.s32 $0x2880;
	s21 =	simm.s32 $0x1  }
0x8: {  	s22 =	simm.s32 $0x3;
	s23 =	simm.s32 $0x2;
	s24 =	simm.s32 $0x4  }
0x9: {  	s25 =	simm.s32 $0x0;
	[smem:$0x7FF] =	sst s3;
	s6 =	smul.u32 $0x14000, s1  }
0xa: {  	s9 =	sand.u32 $0x1, s4;
	s4 =	sadd.s32 $0xC200, s7;
	s5 =	sadd.s32 $0x2200, s7  }
0xb: {  	s26 =	smul.u32 $0x50000, s1;
	s31 =	sshll.u32 s1, $0x6;
	_ =	strace $0x80000047  }
0xc: {  	s10 =	smul.u32 $0x140000, s9;
	s11 =	sshll.u32 s9, $0x4;
	s9 =	ssub.s32 $0x2, s9  }
0xd: {  	s11 =	sor.u32 s1, s11;
	s12 =	sshrl.u32 s6, $0x3;
	s28 =	sshrl.u32 s9, $0x1  }
0xe: {  	s30 =	sshrl.u32 s26, $0x2;
	s10 =	sadd.s32 s6, s10;
	s6 =	smul.u32 $0x2800, s11  }
0xf: {  	s12 =	sadd.s32 s12, s7;
	s14 =	ssub.s32 s9, s28;
	s15 =	sadd.s32 s30, s2  }
0x10: {  	s10 =	sshrl.u32 s10, $0x3;
	s9 =	sadd.s32 $0x34200, s12;
	s12 =	smax.u32 s14, $0x1  }
0x11: {  	s14 =	sor.u32 $0x1C05, s31;
	s15 =	sshrl.u32 s15, $0x3;
	s29 =	sshrl.u32 s6, $0x3  }
0x12: {  	s13 =	sadd.s32 s10, s7;
	s7 =	sadd.s32 s8, s29;
	s8 =	sadd.s32 s5, s29  }
0x13: {  	s11 =	sadd.s32 $0x5C200, s13;
	s13 =	simm.s32 $0x5;
	s10 =	sadd.s32 $0x10, s8  }
.LBB2_1:
0x14: {  	_ =	strace $0x80000048  }
0x15: {  	[tilespmem:s3], [sflag:$0x5] =	stream.linear.gather [hbm4b:s7+s3], $0x2800, $0x200038;
	[tilespmem:$0x1E900] =	vst v63  }
0x16: {  	_ =	swait.ge [sflag:s13], $0x2800  }
0x17: {  	[sflag:s13] =	ssyncset.done $0x0  }
0x18: {  	[sflag:s13] =	ssyncadd.s32 $0xFFFFD800  }
0x19: {  	[spmem:s15], [sflag:s14] =	dma.local [hbm:s9], $0x2800  }
0x1a: {  	_ =	swait.ge [sflag:s13], $0x2800  }
0x1b: {  	[sflag:s13] =	ssyncset.done $0x0  }
0x1c: {  	[sflag:s13] =	ssyncadd.s32 $0xFFFFD800  }
0x1d: {  	[bflag:$0x0] =	sbarrier.arrive $0xFFFF  }
0x1e: {  	_ =	strace $0x90000048  }
0x1f: {  	[tilespmem:s17], [sflag:$0x1] =	stream.indirect.gather [hbm4b:s4+s16], $0x80, s3, s16, $0xb8;
	[tilespmem:$0x1E900] =	vst v63  }
0x20: {  	_ = 	snop  }
0x21: {  	[tilespmem:s18], [sflag:$0x3] =	stream.linear.gather [hbm4b:s8+s3], $0x80, $0x38;
	[tilespmem:$0x1E900] =	vst v63  }
0x22: {  	_ = 	snop  }
0x23: {  	[tilespmem:s19], [sflag:$0x2] =	stream.indirect.gather [hbm4b:s4+s16], $0x80, s16, s16, $0xb8;
	[tilespmem:$0x1E900] =	vst v63  }
0x24: {  	_ = 	snop  }
0x25: {  	[tilespmem:s20], [sflag:$0x4] =	stream.linear.gather [hbm4b:s10+s3], $0x80, $0x38;
	[tilespmem:$0x1E900] =	vst v63  }
0x26: {  	_ =	strace $0x80000049  }
0x27: {  	_ =	swait.ge [sflag:s21], $0x4000  }
0x28: {  	[sflag:s21] =	ssyncset.done $0x0  }
0x29: {  	[sflag:s21] =	ssyncadd.s32 $0xFFFFC000  }
0x2a: {  	_ =	swait.ge [sflag:s22], $0x80  }
0x2b: {  	s26 =	simm.s32 $0x100;
	[sflag:s22] =	ssyncset.done $0x0  }
0x2c: {  	s28 =	sand.u32 $0x7C00, s26;
	[sflag:s22] =	ssyncadd.s32 $0xFFFFFF80  }
0x2d: {  	[spmem:s2] =	stream.indirect.scatter.add.f32 [tilespmem:s17], [sflag:$0x5], $0x80, s18, s16, $0x2000b8;
	[tilespmem:$0x1E900] =	vst v63  }
0x2e: {  	s29 =	sand.u32 $0x300, s26;
	s28 =	sadd.s32 s6, s28;
	_ =	swait.ge [sflag:s13], $0x4000  }
0x2f: {  	s28 =	sor.u32 s29, s28;
	[sflag:s13] =	ssyncset.done $0x0  }
0x30: {  	s26 =	simm.s32 $0x100;
	s28 =	sshrl.u32 s28, $0x3;
	[sflag:s13] =	ssyncadd.s32 $0xFFFFC000  }
0x31: {  	[tilespmem:s17], [sflag:$0x1] =	stream.indirect.gather [hbm4b:s4+s16], $0x80, s26, s16, $0x2000b8;
	[tilespmem:$0x1E900] =	vst v63  }
0x32: {  	s28 =	sadd.s32 s5, s28  }
0x33: {  	[tilespmem:s18], [sflag:$0x3] =	stream.linear.gather [hbm4b:s28+s3], $0x80, $0x200038;
	[tilespmem:$0x1E900] =	vst v63  }
0x34: {  	_ =	swait.ge [sflag:s23], $0x4000  }
0x35: {  	[sflag:s23] =	ssyncset.done $0x0  }
0x36: {  	[sflag:s23] =	ssyncadd.s32 $0xFFFFC000  }
0x37: {  	_ =	swait.ge [sflag:s24], $0x80  }
0x38: {  	s28 =	simm.s32 $0x180;
	[sflag:s24] =	ssyncset.done $0x0  }
0x39: {  	s29 =	sand.u32 $0x7C00, s28;
	[sflag:s24] =	ssyncadd.s32 $0xFFFFFF80  }
0x3a: {  	[spmem:s2] =	stream.indirect.scatter.add.f32 [tilespmem:s19], [sflag:$0x5], $0x80, s20, s16, $0x2000b8;
	[tilespmem:$0x1E900] =	vst v63  }
0x3b: {  	s28 =	sand.u32 $0x380, s28;
	s29 =	sadd.s32 s6, s29;
	_ =	swait.ge [sflag:s13], $0x4000  }
0x3c: {  	s30 =	simm.s32 $0x180;
	s29 =	sor.u32 s28, s29;
	[sflag:s13] =	ssyncset.done $0x0  }
0x3d: {  	s28 =	simm.s32 $0x280;
	s29 =	sshrl.u32 s29, $0x3;
	[sflag:s13] =	ssyncadd.s32 $0xFFFFC000  }
0x3e: {  	[tilespmem:s19], [sflag:$0x2] =	stream.indirect.gather [hbm4b:s4+s16], $0x80, s30, s16, $0x2000b8;
	[tilespmem:$0x1E900] =	vst v63  }
.LBB2_2:
0x3f: {  	p0 =	sne.s32 s28, $0x2780;
	s29 =	sadd.s32 s5, s29;
	s26 =	sadd.s32 $0x100, s26  }
0x40: {  	[tilespmem:s20], [sflag:$0x4] =	stream.linear.gather [hbm4b:s29+s3], $0x80, $0x200038;
	[tilespmem:$0x1E900] =	vst v63  }
0x41: {  	s29 =	smov.u32 s28;
	s28 =	sadd.s32 $0x100, s28;
	_ =	swait.ge [sflag:s21], $0x4000  }
0x42: {  	[sflag:s21] =	ssyncset.done $0x0  }
0x43: {  	[sflag:s21] =	ssyncadd.s32 $0xFFFFC000  }
0x44: {  	_ =	swait.ge [sflag:s22], $0x80  }
0x45: {  	[sflag:s22] =	ssyncset.done $0x0  }
0x46: {  	s30 =	sadd.s32 $0xFFFFFF80, s29;
	[sflag:s22] =	ssyncadd.s32 $0xFFFFFF80  }
0x47: {  	[spmem:s2] =	stream.indirect.scatter.add.f32 [tilespmem:s17], [sflag:$0x5], $0x80, s18, s16, $0x2000b8;
	[tilespmem:$0x1E900] =	vst v63  }
0x48: {  	s31 =	sand.u32 $0x7C00, s30;
	_ =	swait.ge [sflag:s13], $0x4000  }
0x49: {  	s30 =	sand.u32 $0x300, s30;
	s31 =	sadd.s32 s6, s31;
	[sflag:s13] =	ssyncset.done $0x0  }
0x4a: {  	s30 =	sor.u32 s30, s31;
	[sflag:s13] =	ssyncadd.s32 $0xFFFFC000  }
0x4b: {  	[tilespmem:s17], [sflag:$0x1] =	stream.indirect.gather [hbm4b:s4+s16], $0x80, s26, s16, $0x2000b8;
	[tilespmem:$0x1E900] =	vst v63  }
0x4c: {  	s30 =	sshrl.u32 s30, $0x3  }
0x4d: {  	s30 =	sadd.s32 s5, s30  }
0x4e: {  	[tilespmem:s18], [sflag:$0x3] =	stream.linear.gather [hbm4b:s30+s3], $0x80, $0x200038;
	[tilespmem:$0x1E900] =	vst v63  }
0x4f: {  	_ =	swait.ge [sflag:s23], $0x4000  }
0x50: {  	[sflag:s23] =	ssyncset.done $0x0  }
0x51: {  	[sflag:s23] =	ssyncadd.s32 $0xFFFFC000  }
0x52: {  	_ =	swait.ge [sflag:s24], $0x80  }
0x53: {  	[sflag:s24] =	ssyncset.done $0x0  }
0x54: {  	s30 =	sand.u32 $0x7C00, s29;
	[sflag:s24] =	ssyncadd.s32 $0xFFFFFF80  }
0x55: {  	[spmem:s2] =	stream.indirect.scatter.add.f32 [tilespmem:s19], [sflag:$0x5], $0x80, s20, s16, $0x2000b8;
	[tilespmem:$0x1E900] =	vst v63  }
.Ltmp0:
0x56: {  	_ = 	snop;
	(pc) =	sbr.rel @p0 .LBB2_2-.Ltmp0, $4  }
0x57: {  	s29 =	sand.u32 $0x380, s29;
	s30 =	sadd.s32 s6, s30;
	_ =	swait.ge [sflag:s13], $0x4000  }
0x58: {  	s29 =	sor.u32 s29, s30;
	[sflag:s13] =	ssyncset.done $0x0  }
0x59: {  	s30 =	sadd.s32 $0x80, s26;
	s29 =	sshrl.u32 s29, $0x3;
	[sflag:s13] =	ssyncadd.s32 $0xFFFFC000  }
0x5a: {  	[tilespmem:s19], [sflag:$0x2] =	stream.indirect.gather [hbm4b:s4+s16], $0x80, s30, s16, $0x2000b8;
	[tilespmem:$0x1E900] =	vst v63  }
0x5b: {  	s26 =	sadd.s32 s5, s29  }
0x5c: {  	[tilespmem:s20], [sflag:$0x4] =	stream.linear.gather [hbm4b:s26+s3], $0x80, $0x200038;
	[tilespmem:$0x1E900] =	vst v63  }
0x5d: {  	_ =	swait.ge [sflag:s21], $0x4000  }
0x5e: {  	[sflag:s21] =	ssyncset.done $0x0  }
0x5f: {  	[sflag:s21] =	ssyncadd.s32 $0xFFFFC000  }
0x60: {  	_ =	swait.ge [sflag:s22], $0x80  }
0x61: {  	[sflag:s22] =	ssyncset.done $0x0  }
0x62: {  	[sflag:s22] =	ssyncadd.s32 $0xFFFFFF80  }
0x63: {  	[spmem:s2] =	stream.indirect.scatter.add.f32 [tilespmem:s17], [sflag:$0x5], $0x80, s18, s16, $0x2000b8;
	[tilespmem:$0x1E900] =	vst v63  }
0x64: {  	_ =	swait.ge [sflag:s13], $0x4000  }
0x65: {  	[sflag:s13] =	ssyncset.done $0x0  }
0x66: {  	[sflag:s13] =	ssyncadd.s32 $0xFFFFC000  }
0x67: {  	_ =	swait.ge [sflag:s23], $0x4000  }
0x68: {  	[sflag:s23] =	ssyncset.done $0x0  }
0x69: {  	[sflag:s23] =	ssyncadd.s32 $0xFFFFC000  }
0x6a: {  	_ =	swait.ge [sflag:s24], $0x80  }
0x6b: {  	[sflag:s24] =	ssyncset.done $0x0  }
0x6c: {  	[sflag:s24] =	ssyncadd.s32 $0xFFFFFF80  }
0x6d: {  	[spmem:s2] =	stream.indirect.scatter.add.f32 [tilespmem:s19], [sflag:$0x5], $0x80, s20, s16, $0x2000b8;
	[tilespmem:$0x1E900] =	vst v63  }
0x6e: {  	_ =	swait.ge [sflag:s13], $0x4000  }
0x6f: {  	[sflag:s13] =	ssyncset.done $0x0  }
0x70: {  	[sflag:s13] =	ssyncadd.s32 $0xFFFFC000  }
0x71: {  	[bflag:$0x0] =	sbarrier.arrive $0xFFFF  }
0x72: {  	s25 =	sadd.s32 $0x1, s25;
	_ =	strace $0x90000049  }
0x73: {  	p0 =	sne.s32 s25, s12;
	_ =	strace $0x8000004A  }
0x74: {  	[hbm:s11], [sflag:s14] =	dma.local [spmem:s15], $0x2800  }
.Ltmp1:
0x75: {  	_ = 	snop;
	(pc) =	sbr.rel @p0 .LBB2_1-.Ltmp1, $4  }
0x76: {  	_ =	swait.ge [sflag:s13], $0x2800  }
0x77: {  	[sflag:s13] =	ssyncset.done $0x0  }
0x78: {  	[sflag:s13] =	ssyncadd.s32 $0xFFFFD800  }
0x79: {  	_ =	strace $0x9000004A  }
0x7a: {  	_ =	sfence.sel $0x180000  }
0x7b: {  	[bflag:$0x0] =	sbarrier.arrive $0xFFFF  }
0x7c: {  	p0 =	sne.s32 s1, $0x0;
	_ =	strace $0x90000047  }
0x7d: {  	s0 =	sadd.s32 @!p0 $0x100000, s0;
	[bflag:$0x2] =	sbarrier.arrive $0xFFFF  }
0x7e: {  	[sflag:s0] =	ssyncadd.tile.s32 @!p0 $0x1;
	_ =	shalt  }
.Lfunc_end2:
_tile_overlayer_lowered:
.L_overlay_start_2:
0x7f: {  	(tag) =	ssettag $0x2  }
0x80: {  	s0 =	rddreg [dreg:$0x0];
	s2 =	stileid.u32  }
0x81: {  	s1 =	rddreg [dreg:$0x1];
	p0 =	sne.s32 s2, $0x0  }
0x82: {  	s3 =	rddreg [dreg:$0x2];
	[bflag:$0x3] =	sbarrier.arrive $0xFFFF;
	s2 =	simm.s32 @!p0 $0x1C05  }
0x83: {  	[timem:s3], [sflag:s2] =	dma.local @!p0 [hbm:s0], s1  }
0x84: {  	s0 =	simm.s32 @!p0 $0x5  }
0x85: {  	_ =	swait.ge @!p0 [sflag:s0], s1  }
0x86: {  	s1 =	ssub.s32 @!p0 $0x0, s1;
	[sflag:s0] =	ssyncset.done @!p0 $0x0  }
0x87: {  	[sflag:s0] =	ssyncadd.s32 @!p0 s1  }
0x88: {  	[bflag:$0x3] =	sbarrier.arrive $0xFFFF  }
0x89: {  	_ =	shalt  }

// kernel: kernel.9.cloned.1.call-start
scs
__scs_entry_jumppad:
0x0: {  	(pc) =	sbr.rel $0x88, $3  }
0x1: {  	(tag) =	ssettag $0x0;
	lr =	simm.s32 $0x1  }
0x2: {  	[smem:$0x3F97] =	sst lr;
	_ =	strace $0xD0000000  }
0x3: {  	_ = 	snop  }
0x4: {  	_ = 	snop  }
0x5: {  	_ = 	snop  }
0x6: {  	_ = 	snop  }
0x7: {  	_ = 	snop  }
__scs_overlays_trampoline_lowered:
0x8: {  	[smem:$0x3FA6] =	sst s0  }
0x9: {  	[smem:$0x3FA7] =	sst s1  }
0xa: {  	[smem:$0x3FA8] =	sst s2  }
0xb: {  	[smem:$0x3FA9] =	sst s3  }
0xc: {  	[smem:$0x3FAA] =	sst s4  }
0xd: {  	[smem:$0x3FAB] =	sst s5  }
0xe: {  	[smem:$0x3FAC] =	sst s6  }
0xf: {  	[smem:$0x3FAD] =	sst s7  }
0x10: {  	[smem:$0x3FAE] =	sst s8  }
0x11: {  	[smem:$0x3FAF] =	sst s9;
	s0 =	simm.s32 @!p0 $0x0  }
0x12: {  	s1 =	sld [smem:$0x3F95];
	s0 =	simm.s32 @p0 $0x1  }
0x13: {  	[smem:$0x3FB0] =	sst s0;
	s0 =	simm.s32 @!p1 $0x0  }
0x14: {  	s2 =	sld [smem:$0x3F94];
	s0 =	simm.s32 @p1 $0x1  }
0x15: {  	[smem:$0x3FB1] =	sst s0;
	s0 =	simm.s32 @!p2 $0x0  }
0x16: {  	s3 =	sld [smem:$0x3FDB];
	s0 =	simm.s32 @p2 $0x1  }
0x17: {  	s4 =	simm.s32 $0x1BF5;
	[smem:$0x3FB3] =	sst s0  }
0x18: {  	s0 =	sld [smem:$0x3F96];
	_ =	swait.ge [sflag:s4], $0x0  }
0x19: {  	s7 =	sld [smem:$0x3F97]  }
0x1a: {  	s8 =	sadd.s32 $0xFFFFE003, lr  }
0x1b: {  	s9 =	sadd.s32 $0xFFFFFEF7, lr;
	s5 =	simm.s32 $0xFFFFFFFF;
	p2 =	slt.u32 s8, $0xFFFFF086  }
0x1c: {  	p1 =	slt.u32 s9, $0xF7A;
	s5 =	simm.s32 @!p2 $0x0  }
0x1d: {  	s5 =	simm.s32 @p1 $0x1;
	p0 =	seq.s32 s7, s2  }
0x1e: {  	s7 =	smul.u32 @!p0 $0xF7A, s2;
	p2 =	seq.s32 @!p0 s5, $0x0  }
0x1f: {  	s9 =	smul.u32 $0xF7A, s1;
	s8 =	simm.s32 @!p0 $0x1BF5;
	p2 =	por !p2, p0  }
0x20: {  	[sflag:s8] =	ssyncset.s32 @!p0 $0xFFFFF086;
	s6 =	sadd.s32 @!p0 s3, s7;
	s7 =	simm.s32 @!p0 $0x108  }
0x21: {  	s3 =	sadd.s32 s3, s9;
	s6 =	sadd.s32 @!p0 $0x88, s6;
	s7 =	simm.s32 @p2 $0x1082  }
0x22: {  	[simem:s7], [sflag:s8] =	dma.local @!p0 [hbm:s6], $0xF7A  }
0x23: {  	s9 =	sor.u32 $0xD0000000, s2;
	s6 =	simm.s32 $0x108;
	_ =	swait.ge @!p0 [sflag:s8], $0x0  }
0x24: {  	s3 =	sadd.s32 $0x88, s3;
	s6 =	simm.s32 @!p1 $0x1082;
	[sflag:s4] =	ssyncset.s32 $0xFFFFF086  }
0x25: {  	[simem:s6], [sflag:s4] =	dma.local [hbm:s3], $0xF7A  }
0x26: {  	[smem:$0x3F97] =	sst s1;
	(tag) =	ssettag s2;
	_ =	strace s9  }
0x27: {  	s1 =	sld [smem:$0x3FA7]  }
0x28: {  	s2 =	sld [smem:$0x3FA8]  }
0x29: {  	s4 =	sld [smem:$0x3FAA]  }
0x2a: {  	p0 =	seq.s32 s5, $0x0;
	s5 =	sld [smem:$0x3FAB]  }
0x2b: {  	s6 =	sld [smem:$0x3FAC]  }
0x2c: {  	s7 =	sld [smem:$0x3FAD]  }
0x2d: {  	s3 =	simm.s32 $0x108;
	s8 =	sld [smem:$0x3FAE]  }
0x2e: {  	s3 =	simm.s32 @!p0 $0x1082;
	s9 =	sld [smem:$0x3FAF]  }
0x2f: {  	lr =	sadd.s32 s0, s3;
	s0 =	sld [smem:$0x3FA6]  }
0x30: {  	s3 =	sld [smem:$0x3FA9]  }
0x31: {  	[smem:$0x3FB2] =	sst s10  }
0x32: {  	s10 =	sld [smem:$0x3FB0];
	_ =	sdelay $0x3  }
0x33: {  	p0 =	seq.s32 s10, $0x1;
	s10 =	sld [smem:$0x3FB2];
	_ =	sdelay $0x3  }
0x34: {  	[smem:$0x3FB2] =	sst s10  }
0x35: {  	s10 =	sld [smem:$0x3FB1];
	_ =	sdelay $0x3  }
0x36: {  	p1 =	seq.s32 s10, $0x1;
	s10 =	sld [smem:$0x3FB2];
	_ =	sdelay $0x3  }
0x37: {  	[smem:$0x3FB2] =	sst s10  }
0x38: {  	s10 =	sld [smem:$0x3FB3]  }
0x39: {  	_ = 	snop;
	(pc) =	sbr.ind lr, $3  }
0x3a: {  	_ = 	snop  }
0x3b: {  	_ = 	snop  }
0x3c: {  	p2 =	seq.s32 s10, $0x1;
	s10 =	sld [smem:$0x3FB2]  }
0x3d: {  	_ =	shalt  }
0x3e: {  	_ =	shalt  }
0x3f: {  	_ =	shalt  }
0x40: {  	_ =	shalt  }
0x41: {  	_ =	shalt  }
0x42: {  	_ =	shalt  }
0x43: {  	_ =	shalt  }
0x44: {  	_ =	shalt  }
0x45: {  	_ =	shalt  }
0x46: {  	_ =	shalt  }
0x47: {  	_ =	shalt  }
0x48: {  	_ =	shalt  }
0x49: {  	_ =	shalt  }
0x4a: {  	_ =	shalt  }
0x4b: {  	_ =	shalt  }
0x4c: {  	_ =	shalt  }
0x4d: {  	_ =	shalt  }
0x4e: {  	_ =	shalt  }
0x4f: {  	_ =	shalt  }
0x50: {  	_ =	shalt  }
0x51: {  	_ =	shalt  }
0x52: {  	_ =	shalt  }
0x53: {  	_ =	shalt  }
0x54: {  	_ =	shalt  }
0x55: {  	_ =	shalt  }
0x56: {  	_ =	shalt  }
0x57: {  	_ =	shalt  }
0x58: {  	_ =	shalt  }
0x59: {  	_ =	shalt  }
0x5a: {  	_ =	shalt  }
0x5b: {  	_ =	shalt  }
0x5c: {  	_ =	shalt  }
0x5d: {  	_ =	shalt  }
0x5e: {  	_ =	shalt  }
0x5f: {  	_ =	shalt  }
0x60: {  	_ =	shalt  }
0x61: {  	_ =	shalt  }
0x62: {  	_ =	shalt  }
0x63: {  	_ =	shalt  }
0x64: {  	_ =	shalt  }
0x65: {  	_ =	shalt  }
0x66: {  	_ =	shalt  }
0x67: {  	_ =	shalt  }
0x68: {  	_ =	shalt  }
0x69: {  	_ =	shalt  }
0x6a: {  	_ =	shalt  }
0x6b: {  	_ =	shalt  }
0x6c: {  	_ =	shalt  }
0x6d: {  	_ =	shalt  }
0x6e: {  	_ =	shalt  }
0x6f: {  	_ =	shalt  }
0x70: {  	_ =	shalt  }
0x71: {  	_ =	shalt  }
0x72: {  	_ =	shalt  }
0x73: {  	_ =	shalt  }
0x74: {  	_ =	shalt  }
0x75: {  	_ =	shalt  }
0x76: {  	_ =	shalt  }
0x77: {  	_ =	shalt  }
0x78: {  	_ =	shalt  }
0x79: {  	_ =	shalt  }
0x7a: {  	_ =	shalt  }
0x7b: {  	_ =	shalt  }
0x7c: {  	_ =	shalt  }
0x7d: {  	_ =	shalt  }
0x7e: {  	_ =	shalt  }
0x7f: {  	_ =	shalt  }
0x80: {  	_ =	shalt  }
0x81: {  	_ =	shalt  }
0x82: {  	_ =	shalt  }
0x83: {  	_ =	shalt  }
0x84: {  	_ =	shalt  }
0x85: {  	_ =	shalt  }
0x86: {  	_ =	shalt  }
0x87: {  	_ =	shalt  }
.Lfunc_end0:
.L_simem_size_0:
called_computation.1_lowered:
.L_overlay_start_0:
0x88: {  	s2 =	sld [smem:$0x3FD9]  }
0x89: {  	s3 =	sld [smem:$0x3FFE];
	_ =	sdelay $0x1  }
0x8a: {  	s1 =	srdreg.scid  }
0x8b: {  	s0 =	sand.u32 $0x1, s1  }
0x8c: {  	s17 =	sshll.u32 s0, $0xA;
	s2 =	sadd.s32 s3, s2  }
0x8d: {  	s2 =	sadd.s32 s2, s17  }
0x8e: {  	[smem:$0x3FBE] =	sst s2  }
0x8f: {  	_ = 	snop  }
0x90: {  	s2 =	sld [smem:$0x3FD0];
	(tm) =	ssettm $0x1  }
0x91: {  	s18 =	sld [smem:$0x3FFB];
	_ =	sdelay $0x3  }
0x92: {  	_ =	strace s18  }
0x93: {  	s3 =	sld [smem:$0x3FFC];
	_ =	sdelay $0x3  }
0x94: {  	_ =	strace s3  }
0x95: {  	s3 =	sld [smem:$0x3FFD];
	_ =	sdelay $0x3  }
0x96: {  	_ =	strace s3  }
0x97: {  	_ =	strace $0x8FFFFFFF  }
0x98: {  	s19 =	sld [smem:$0x3FDB];
	_ =	sdelay $0x1  }
0x99: {  	s4 =	simm.s32 $_scs_section_size  }
0x9a: {  	s5 =	simm.s32 $_size__tile_overlayer_lowered;
	s6 =	simm.s32 $_tile_overlayer_lowered  }
0x9b: {  	s22 =	simm.s32 $0x1BFF;
	s21 =	sshll.u32 s6, $0x1;
	s3 =	sadd.s32 s4, s19  }
0x9c: {  	s7 =	simm.s32 $0x0;
	s20 =	sshll.u32 s5, $0x1;
	s5 =	sadd.s32 s21, s3  }
0x9d: {  	[timem:s7], [sflag:s22] =	dma.local [hbm:s5], s20  }
0x9e: {  	_ =	swait.ge [sflag:s22], s20  }
0x9f: {  	s4 =	ssub.s32 $0x0, s20;
	[sflag:s22] =	ssyncset.done $0x0  }
0xa0: {  	[sflag:s22] =	ssyncadd.s32 s4;
	_ =	sdelay $0x1  }
0xa1: {  	s23 =	simm.s32 $0x1B8B  }
0xa2: {  	_ =	swait.ge [sflag:s23], $0x1  }
0xa3: {  	[sflag:s23] =	ssyncset.done $0x0  }
0xa4: {  	s25 =	simm.s32 $0x1B8E;
	s24 =	sld [smem:$0x3FFE];
	[sflag:s23] =	ssyncadd.s32 $0xFFFFFFFF  }
0xa5: {  	s26 =	simm.s32 $execute0_lowered;
	[smem:$0x3FD2] =	sst s25  }
0xa6: {  	s5 =	sshll.u32 s26, $0x1;
	_ =	strace $0x8000004C;
	[dreg:$0x1] =	wrdreg $0xFFFFFFFF  }
0xa7: {  	s28 =	simm.s32 $_size_execute0_lowered;
	s3 =	sadd.s32 s3, s5;
	[dreg:$0x0] =	wrdreg $0x0  }
0xa8: {  	s5 =	sshll.u32 s28, $0x1;
	[dreg:$0x2] =	wrdreg s3  }
0xa9: {  	[dreg:$0x3] =	wrdreg s5  }
0xaa: {  	[dreg:$0x4] =	wrdreg $0xC0  }
0xab: {  	_ =	task [dreg:s7], $0x5FFFF  }
0xac: {  	[dreg:$0x1] =	wrdreg $0xFFFFFFFF  }
0xad: {  	[dreg:$0x0] =	wrdreg $0x60  }
0xae: {  	[dreg:$0x2] =	wrdreg s24  }
0xaf: {  	[dreg:$0x3] =	wrdreg s2  }
0xb0: {  	[dreg:$0x4] =	wrdreg $0xA9000  }
0xb1: {  	[dreg:$0x5] =	wrdreg $0x9  }
0xb2: {  	_ =	task.clear_ibuf [dreg:s7], $0x6FFFF;
	_ =	strace $0x9000004C  }
0xb3: {  	s29 =	simm.s32 $0x9;
	_ =	strace $0x80000051  }
0xb4: {  	_ =	swait.ge [sflag:s29], $0x1  }
0xb5: {  	[sflag:s29] =	ssyncadd.s32 $0xFFFFFFFF  }
0xb6: {  	_ =	strace $0x90000051  }
0xb7: {  	_ =	sfence  }
0xb8: {  	s30 =	sld [smem:$0x0];
	_ =	sdelay $0x2  }
0xb9: {  	s31 =	sshll.u32 s1, $0xD;
	s1 =	sshrl.u32 s1, $0x2  }
0xba: {  	s3 =	sand.u32 $0x4000, s31;
	s1 =	sadd.s32 s1, s30  }
0xbb: {  	s0 =	sor.u32 s3, s0;
	s1 =	sshll.u32 s1, $0x11  }
0xbc: {  	s0 =	sor.u32 s1, s0  }
0xbd: {  	s0 =	sadd.s32 $0x8F2B, s0  }
0xbe: {  	[sflag:s0] =	ssyncadd.remote.s32 $0x1  }
0xbf: {  	_ =	sfence.sel $0xFFFF  }
0xc0: {  	[dreg:$0x0] =	wrdreg $0xFFFFFFFF;
	(pc) =	sbr.abs _section_cstart, $3  }
0xc1: {  	[dreg:$0x1] =	wrdreg $0xFFFFFFFF  }
0xc2: {  	_ =	task.clear_ibuf [dreg:s7], $0x2FFFF;
	_ =	strace $0x9FFFFFFF  }
0xc3: {  	(tm) =	ssettm $0x7FFFFFFF  }
tec
execute0_lowered:
.L_overlay_start_1:
0x0: {  	(tag) =	ssettag $0x1  }
0x1: {  	s7 =	rddreg [dreg:$0x0]  }
0x2: {  	s8 =	rddreg [dreg:$0x1]  }
0x3: {  	s2 =	rddreg [dreg:$0x2]  }
0x4: {  	s0 =	rddreg [dreg:$0x3]  }
0x5: {  	s3 =	simm.s32 $0x0;
	s1 =	stileid.u32;
	s4 =	srdreg.scid  }
0x6: {  	s16 =	simm.s32 $0x80;
	s17 =	simm.s32 $0x2900;
	s18 =	simm.s32 $0x2800  }
0x7: {  	s19 =	simm.s32 $0x6900;
	s20 =	simm.s32 $0x2880;
	s21 =	simm.s32 $0x1  }
0x8: {  	s22 =	simm.s32 $0x3;
	s23 =	simm.s32 $0x2;
	s24 =	simm.s32 $0x4  }
0x9: {  	s25 =	simm.s32 $0x0;
	[smem:$0x7FF] =	sst s3;
	s6 =	smul.u32 $0x14000, s1  }
0xa: {  	s9 =	sand.u32 $0x1, s4;
	s4 =	sadd.s32 $0xC200, s7;
	s5 =	sadd.s32 $0x2200, s7  }
0xb: {  	s26 =	smul.u32 $0x50000, s1;
	s31 =	sshll.u32 s1, $0x6;
	_ =	strace $0x8000004D  }
0xc: {  	s10 =	smul.u32 $0x140000, s9;
	s11 =	sshll.u32 s9, $0x4;
	s9 =	ssub.s32 $0x2, s9  }
0xd: {  	s11 =	sor.u32 s1, s11;
	s12 =	sshrl.u32 s6, $0x3;
	s28 =	sshrl.u32 s9, $0x1  }
0xe: {  	s30 =	sshrl.u32 s26, $0x2;
	s10 =	sadd.s32 s6, s10;
	s6 =	smul.u32 $0x2800, s11  }
0xf: {  	s12 =	sadd.s32 s12, s7;
	s14 =	ssub.s32 s9, s28;
	s15 =	sadd.s32 s30, s2  }
0x10: {  	s10 =	sshrl.u32 s10, $0x3;
	s9 =	sadd.s32 $0x34200, s12;
	s12 =	smax.u32 s14, $0x1  }
0x11: {  	s14 =	sor.u32 $0x1C05, s31;
	s15 =	sshrl.u32 s15, $0x3;
	s29 =	sshrl.u32 s6, $0x3  }
0x12: {  	s13 =	sadd.s32 s10, s7;
	s7 =	sadd.s32 s8, s29;
	s8 =	sadd.s32 s5, s29  }
0x13: {  	s11 =	sadd.s32 $0x5C200, s13;
	s13 =	simm.s32 $0x5;
	s10 =	sadd.s32 $0x10, s8  }
.LBB2_1:
0x14: {  	_ =	strace $0x8000004E  }
0x15: {  	[tilespmem:s3], [sflag:$0x5] =	stream.linear.gather [hbm4b:s7+s3], $0x2800, $0x200038;
	[tilespmem:$0x1E900] =	vst v63  }
0x16: {  	_ =	swait.ge [sflag:s13], $0x2800  }
0x17: {  	[sflag:s13] =	ssyncset.done $0x0  }
0x18: {  	[sflag:s13] =	ssyncadd.s32 $0xFFFFD800  }
0x19: {  	[spmem:s15], [sflag:s14] =	dma.local [hbm:s9], $0x2800  }
0x1a: {  	_ =	swait.ge [sflag:s13], $0x2800  }
0x1b: {  	[sflag:s13] =	ssyncset.done $0x0  }
0x1c: {  	[sflag:s13] =	ssyncadd.s32 $0xFFFFD800  }
0x1d: {  	[bflag:$0x0] =	sbarrier.arrive $0xFFFF  }
0x1e: {  	_ =	strace $0x9000004E  }
0x1f: {  	[tilespmem:s17], [sflag:$0x1] =	stream.indirect.gather [hbm4b:s4+s16], $0x80, s3, s16, $0xb8;
	[tilespmem:$0x1E900] =	vst v63  }
0x20: {  	_ = 	snop  }
0x21: {  	[tilespmem:s18], [sflag:$0x3] =	stream.linear.gather [hbm4b:s8+s3], $0x80, $0x38;
	[tilespmem:$0x1E900] =	vst v63  }
0x22: {  	_ = 	snop  }
0x23: {  	[tilespmem:s19], [sflag:$0x2] =	stream.indirect.gather [hbm4b:s4+s16], $0x80, s16, s16, $0xb8;
	[tilespmem:$0x1E900] =	vst v63  }
0x24: {  	_ = 	snop  }
0x25: {  	[tilespmem:s20], [sflag:$0x4] =	stream.linear.gather [hbm4b:s10+s3], $0x80, $0x38;
	[tilespmem:$0x1E900] =	vst v63  }
0x26: {  	_ =	strace $0x8000004F  }
0x27: {  	_ =	swait.ge [sflag:s21], $0x4000  }
0x28: {  	[sflag:s21] =	ssyncset.done $0x0  }
0x29: {  	[sflag:s21] =	ssyncadd.s32 $0xFFFFC000  }
0x2a: {  	_ =	swait.ge [sflag:s22], $0x80  }
0x2b: {  	s26 =	simm.s32 $0x100;
	[sflag:s22] =	ssyncset.done $0x0  }
0x2c: {  	s28 =	sand.u32 $0x7C00, s26;
	[sflag:s22] =	ssyncadd.s32 $0xFFFFFF80  }
0x2d: {  	[spmem:s2] =	stream.indirect.scatter.add.f32 [tilespmem:s17], [sflag:$0x5], $0x80, s18, s16, $0x2000b8;
	[tilespmem:$0x1E900] =	vst v63  }
0x2e: {  	s29 =	sand.u32 $0x300, s26;
	s28 =	sadd.s32 s6, s28;
	_ =	swait.ge [sflag:s13], $0x4000  }
0x2f: {  	s28 =	sor.u32 s29, s28;
	[sflag:s13] =	ssyncset.done $0x0  }
0x30: {  	s26 =	simm.s32 $0x100;
	s28 =	sshrl.u32 s28, $0x3;
	[sflag:s13] =	ssyncadd.s32 $0xFFFFC000  }
0x31: {  	[tilespmem:s17], [sflag:$0x1] =	stream.indirect.gather [hbm4b:s4+s16], $0x80, s26, s16, $0x2000b8;
	[tilespmem:$0x1E900] =	vst v63  }
0x32: {  	s28 =	sadd.s32 s5, s28  }
0x33: {  	[tilespmem:s18], [sflag:$0x3] =	stream.linear.gather [hbm4b:s28+s3], $0x80, $0x200038;
	[tilespmem:$0x1E900] =	vst v63  }
0x34: {  	_ =	swait.ge [sflag:s23], $0x4000  }
0x35: {  	[sflag:s23] =	ssyncset.done $0x0  }
0x36: {  	[sflag:s23] =	ssyncadd.s32 $0xFFFFC000  }
0x37: {  	_ =	swait.ge [sflag:s24], $0x80  }
0x38: {  	s28 =	simm.s32 $0x180;
	[sflag:s24] =	ssyncset.done $0x0  }
0x39: {  	s29 =	sand.u32 $0x7C00, s28;
	[sflag:s24] =	ssyncadd.s32 $0xFFFFFF80  }
0x3a: {  	[spmem:s2] =	stream.indirect.scatter.add.f32 [tilespmem:s19], [sflag:$0x5], $0x80, s20, s16, $0x2000b8;
	[tilespmem:$0x1E900] =	vst v63  }
0x3b: {  	s28 =	sand.u32 $0x380, s28;
	s29 =	sadd.s32 s6, s29;
	_ =	swait.ge [sflag:s13], $0x4000  }
0x3c: {  	s30 =	simm.s32 $0x180;
	s29 =	sor.u32 s28, s29;
	[sflag:s13] =	ssyncset.done $0x0  }
0x3d: {  	s28 =	simm.s32 $0x280;
	s29 =	sshrl.u32 s29, $0x3;
	[sflag:s13] =	ssyncadd.s32 $0xFFFFC000  }
0x3e: {  	[tilespmem:s19], [sflag:$0x2] =	stream.indirect.gather [hbm4b:s4+s16], $0x80, s30, s16, $0x2000b8;
	[tilespmem:$0x1E900] =	vst v63  }
.LBB2_2:
0x3f: {  	p0 =	sne.s32 s28, $0x2780;
	s29 =	sadd.s32 s5, s29;
	s26 =	sadd.s32 $0x100, s26  }
0x40: {  	[tilespmem:s20], [sflag:$0x4] =	stream.linear.gather [hbm4b:s29+s3], $0x80, $0x200038;
	[tilespmem:$0x1E900] =	vst v63  }
0x41: {  	s29 =	smov.u32 s28;
	s28 =	sadd.s32 $0x100, s28;
	_ =	swait.ge [sflag:s21], $0x4000  }
0x42: {  	[sflag:s21] =	ssyncset.done $0x0  }
0x43: {  	[sflag:s21] =	ssyncadd.s32 $0xFFFFC000  }
0x44: {  	_ =	swait.ge [sflag:s22], $0x80  }
0x45: {  	[sflag:s22] =	ssyncset.done $0x0  }
0x46: {  	s30 =	sadd.s32 $0xFFFFFF80, s29;
	[sflag:s22] =	ssyncadd.s32 $0xFFFFFF80  }
0x47: {  	[spmem:s2] =	stream.indirect.scatter.add.f32 [tilespmem:s17], [sflag:$0x5], $0x80, s18, s16, $0x2000b8;
	[tilespmem:$0x1E900] =	vst v63  }
0x48: {  	s31 =	sand.u32 $0x7C00, s30;
	_ =	swait.ge [sflag:s13], $0x4000  }
0x49: {  	s30 =	sand.u32 $0x300, s30;
	s31 =	sadd.s32 s6, s31;
	[sflag:s13] =	ssyncset.done $0x0  }
0x4a: {  	s30 =	sor.u32 s30, s31;
	[sflag:s13] =	ssyncadd.s32 $0xFFFFC000  }
0x4b: {  	[tilespmem:s17], [sflag:$0x1] =	stream.indirect.gather [hbm4b:s4+s16], $0x80, s26, s16, $0x2000b8;
	[tilespmem:$0x1E900] =	vst v63  }
0x4c: {  	s30 =	sshrl.u32 s30, $0x3  }
0x4d: {  	s30 =	sadd.s32 s5, s30  }
0x4e: {  	[tilespmem:s18], [sflag:$0x3] =	stream.linear.gather [hbm4b:s30+s3], $0x80, $0x200038;
	[tilespmem:$0x1E900] =	vst v63  }
0x4f: {  	_ =	swait.ge [sflag:s23], $0x4000  }
0x50: {  	[sflag:s23] =	ssyncset.done $0x0  }
0x51: {  	[sflag:s23] =	ssyncadd.s32 $0xFFFFC000  }
0x52: {  	_ =	swait.ge [sflag:s24], $0x80  }
0x53: {  	[sflag:s24] =	ssyncset.done $0x0  }
0x54: {  	s30 =	sand.u32 $0x7C00, s29;
	[sflag:s24] =	ssyncadd.s32 $0xFFFFFF80  }
0x55: {  	[spmem:s2] =	stream.indirect.scatter.add.f32 [tilespmem:s19], [sflag:$0x5], $0x80, s20, s16, $0x2000b8;
	[tilespmem:$0x1E900] =	vst v63  }
.Ltmp0:
0x56: {  	_ = 	snop;
	(pc) =	sbr.rel @p0 .LBB2_2-.Ltmp0, $4  }
0x57: {  	s29 =	sand.u32 $0x380, s29;
	s30 =	sadd.s32 s6, s30;
	_ =	swait.ge [sflag:s13], $0x4000  }
0x58: {  	s29 =	sor.u32 s29, s30;
	[sflag:s13] =	ssyncset.done $0x0  }
0x59: {  	s30 =	sadd.s32 $0x80, s26;
	s29 =	sshrl.u32 s29, $0x3;
	[sflag:s13] =	ssyncadd.s32 $0xFFFFC000  }
0x5a: {  	[tilespmem:s19], [sflag:$0x2] =	stream.indirect.gather [hbm4b:s4+s16], $0x80, s30, s16, $0x2000b8;
	[tilespmem:$0x1E900] =	vst v63  }
0x5b: {  	s26 =	sadd.s32 s5, s29  }
0x5c: {  	[tilespmem:s20], [sflag:$0x4] =	stream.linear.gather [hbm4b:s26+s3], $0x80, $0x200038;
	[tilespmem:$0x1E900] =	vst v63  }
0x5d: {  	_ =	swait.ge [sflag:s21], $0x4000  }
0x5e: {  	[sflag:s21] =	ssyncset.done $0x0  }
0x5f: {  	[sflag:s21] =	ssyncadd.s32 $0xFFFFC000  }
0x60: {  	_ =	swait.ge [sflag:s22], $0x80  }
0x61: {  	[sflag:s22] =	ssyncset.done $0x0  }
0x62: {  	[sflag:s22] =	ssyncadd.s32 $0xFFFFFF80  }
0x63: {  	[spmem:s2] =	stream.indirect.scatter.add.f32 [tilespmem:s17], [sflag:$0x5], $0x80, s18, s16, $0x2000b8;
	[tilespmem:$0x1E900] =	vst v63  }
0x64: {  	_ =	swait.ge [sflag:s13], $0x4000  }
0x65: {  	[sflag:s13] =	ssyncset.done $0x0  }
0x66: {  	[sflag:s13] =	ssyncadd.s32 $0xFFFFC000  }
0x67: {  	_ =	swait.ge [sflag:s23], $0x4000  }
0x68: {  	[sflag:s23] =	ssyncset.done $0x0  }
0x69: {  	[sflag:s23] =	ssyncadd.s32 $0xFFFFC000  }
0x6a: {  	_ =	swait.ge [sflag:s24], $0x80  }
0x6b: {  	[sflag:s24] =	ssyncset.done $0x0  }
0x6c: {  	[sflag:s24] =	ssyncadd.s32 $0xFFFFFF80  }
0x6d: {  	[spmem:s2] =	stream.indirect.scatter.add.f32 [tilespmem:s19], [sflag:$0x5], $0x80, s20, s16, $0x2000b8;
	[tilespmem:$0x1E900] =	vst v63  }
0x6e: {  	_ =	swait.ge [sflag:s13], $0x4000  }
0x6f: {  	[sflag:s13] =	ssyncset.done $0x0  }
0x70: {  	[sflag:s13] =	ssyncadd.s32 $0xFFFFC000  }
0x71: {  	[bflag:$0x0] =	sbarrier.arrive $0xFFFF  }
0x72: {  	s25 =	sadd.s32 $0x1, s25;
	_ =	strace $0x9000004F  }
0x73: {  	p0 =	sne.s32 s25, s12;
	_ =	strace $0x80000050  }
0x74: {  	[hbm:s11], [sflag:s14] =	dma.local [spmem:s15], $0x2800  }
.Ltmp1:
0x75: {  	_ = 	snop;
	(pc) =	sbr.rel @p0 .LBB2_1-.Ltmp1, $4  }
0x76: {  	_ =	swait.ge [sflag:s13], $0x2800  }
0x77: {  	[sflag:s13] =	ssyncset.done $0x0  }
0x78: {  	[sflag:s13] =	ssyncadd.s32 $0xFFFFD800  }
0x79: {  	_ =	strace $0x90000050  }
0x7a: {  	_ =	sfence.sel $0x180000  }
0x7b: {  	[bflag:$0x0] =	sbarrier.arrive $0xFFFF  }
0x7c: {  	p0 =	sne.s32 s1, $0x0;
	_ =	strace $0x9000004D  }
0x7d: {  	s0 =	sadd.s32 @!p0 $0x100000, s0;
	[bflag:$0x2] =	sbarrier.arrive $0xFFFF  }
0x7e: {  	[sflag:s0] =	ssyncadd.tile.s32 @!p0 $0x1;
	_ =	shalt  }
.Lfunc_end2:
_tile_overlayer_lowered:
.L_overlay_start_2:
0x7f: {  	(tag) =	ssettag $0x2  }
0x80: {  	s0 =	rddreg [dreg:$0x0];
	s2 =	stileid.u32  }
0x81: {  	s1 =	rddreg [dreg:$0x1];
	p0 =	sne.s32 s2, $0x0  }
0x82: {  	s3 =	rddreg [dreg:$0x2];
	[bflag:$0x3] =	sbarrier.arrive $0xFFFF;
	s2 =	simm.s32 @!p0 $0x1C05  }
0x83: {  	[timem:s3], [sflag:s2] =	dma.local @!p0 [hbm:s0], s1  }
0x84: {  	s0 =	simm.s32 @!p0 $0x5  }
0x85: {  	_ =	swait.ge @!p0 [sflag:s0], s1  }
0x86: {  	s1 =	ssub.s32 @!p0 $0x0, s1;
	[sflag:s0] =	ssyncset.done @!p0 $0x0  }
0x87: {  	[sflag:s0] =	ssyncadd.s32 @!p0 s1  }
0x88: {  	[bflag:$0x3] =	sbarrier.arrive $0xFFFF  }
0x89: {  	_ =	shalt  }

</sc_bundles>
